<compile_context>
chip_gen: v7x
topology: tpu7x:2x2x1
jax: 0.10.2.dev20260603
libtpu: 0.0.44.dev20260713+nightly
codegen_flags: <defaults>
</compile_context>

<pallas_src>
import functools

import jax
import jax.numpy as jnp
from jax import lax
from jax.experimental import pallas as pl
from jax.experimental.pallas import tpu as pltpu
from jax.experimental.pallas import tpu_sc as plsc

N_CELLS = 4194304
NUM_TYPES = 19
NC, NS, L = 2, 16, 16
NW = NC * NS
PER_W = N_CELLS // NW
CHUNK = 8192
NCHUNK = PER_W // CHUNK
NGRP = NCHUNK // 2
TBL_PAD = 96


def _sc_body(idx_hbm, tbl_hbm, o0, o1, o2, o3, o4,
             tbl_v, ib0, ib1,
             ob00, ob01, ob02, ob03, ob04,
             ob10, ob11, ob12, ob13, ob14,
             sin0, sin1, sout0, sout1):
    wid = lax.axis_index("s") * NC + lax.axis_index("c")
    base_w = wid * PER_W
    pltpu.sync_copy(tbl_hbm, tbl_v)
    outs = (o0, o1, o2, o3, o4)
    ibufs = (ib0, ib1)
    obufs = ((ob00, ob01, ob02, ob03, ob04), (ob10, ob11, ob12, ob13, ob14))
    sins = (sin0, sin1)
    souts = (sout0, sout1)

    for b in range(2):
        pltpu.async_copy(
            idx_hbm.at[pl.ds(base_w + b * CHUNK, CHUNK)], ibufs[b], sins[b]
        )

    def grp_body(g, carry):
        for b in range(2):
            ci = 2 * g + b
            base = pl.multiple_of(base_w + ci * CHUNK, CHUNK)
            pltpu.make_async_copy(
                idx_hbm.at[pl.ds(base, CHUNK)], ibufs[b], sins[b]
            ).wait()

            @pl.when(g > 0)
            def _drain():
                prev = pl.multiple_of(base - 2 * CHUNK, CHUNK)
                for t in range(5):
                    pltpu.make_async_copy(
                        obufs[b][t], outs[t].at[pl.ds(prev, CHUNK)], souts[b]
                    ).wait()

            @plsc.parallel_loop(0, CHUNK, step=L, unroll=8)
            def _gather(off):
                iv = ibufs[b][pl.ds(off, L)]
                for t in range(5):
                    obufs[b][t][pl.ds(off, L)] = plsc.load_gather(
                        tbl_v, [iv + (t * NUM_TYPES - 1)]
                    )

            @pl.when(ci + 2 < NCHUNK)
            def _prefetch():
                nbase = pl.multiple_of(base + 2 * CHUNK, CHUNK)
                pltpu.async_copy(
                    idx_hbm.at[pl.ds(nbase, CHUNK)], ibufs[b], sins[b]
                )

            for t in range(5):
                pltpu.async_copy(
                    obufs[b][t], outs[t].at[pl.ds(base, CHUNK)], souts[b]
                )
        return carry

    lax.fori_loop(0, NGRP, grp_body, 0)

    for b in range(2):
        ci = NCHUNK - 2 + b
        base = pl.multiple_of(base_w + ci * CHUNK, CHUNK)
        for t in range(5):
            pltpu.make_async_copy(
                obufs[b][t], outs[t].at[pl.ds(base, CHUNK)], souts[b]
            ).wait()


@jax.jit
def kernel(indices, BB, MAXSMC, SATDK, SATPSI, QTZ):
    tbl = jnp.concatenate(
        [BB, MAXSMC, SATDK, SATPSI, QTZ,
         jnp.zeros((TBL_PAD - 5 * NUM_TYPES,), jnp.float32)]
    )
    mesh = plsc.VectorSubcoreMesh(
        core_axis_name="c", subcore_axis_name="s", num_cores=NC, num_subcores=NS
    )
    out = jax.ShapeDtypeStruct((N_CELLS,), jnp.float32)
    f = pl.kernel(
        _sc_body,
        out_type=(out,) * 5,
        mesh=mesh,
        scratch_types=(
            [pltpu.VMEM((TBL_PAD,), jnp.float32)]
            + [pltpu.VMEM((CHUNK,), jnp.int32)] * 2
            + [pltpu.VMEM((CHUNK,), jnp.float32)] * 10
            + [pltpu.SemaphoreType.DMA] * 4
        ),
        compiler_params=pltpu.CompilerParams(needs_layout_passes=False),
    )
    return f(indices, tbl)

# --- scband reference (transcript-rebuilt; emitter-appended) ---
"""Pipeline reference for scband-soil-param-58609123721304 (READ-ONLY COPY).

The authoritative reference and input builder live on the scoring server;
editing this copy changes nothing except your own understanding.
"""

import jax, jax.numpy as jnp
import numpy as np

NUM_SOIL_TYPES = 19  # rows in SOILPARM.TBL
N_CELLS = 4194304    # 2048 x 2048 land grid


def setup_inputs(seed: int = 0) -> dict:
    key = jax.random.key(seed)
    k1, k2, k3, k4, k5, k6 = jax.random.split(key, 6)
    # 1-based soil-type indices in [1, NUM_SOIL_TYPES]
    indices = jax.random.randint(k1, (N_CELLS,), 1, NUM_SOIL_TYPES + 1, dtype=jnp.int32)
    # learned per-soil-type parameter vectors (stand-ins for SOILPARM.TBL columns)
    BB = jax.random.uniform(k2, (NUM_SOIL_TYPES,), minval=2.0, maxval=12.0, dtype=jnp.float32)
    MAXSMC = jax.random.uniform(k3, (NUM_SOIL_TYPES,), minval=0.30, maxval=0.55, dtype=jnp.float32)
    SATDK = jax.random.uniform(k4, (NUM_SOIL_TYPES,), minval=1e-6, maxval=1e-4, dtype=jnp.float32)
    SATPSI = jax.random.uniform(k5, (NUM_SOIL_TYPES,), minval=0.03, maxval=0.60, dtype=jnp.float32)
    QTZ = jax.random.uniform(k6, (NUM_SOIL_TYPES,), minval=0.10, maxval=0.90, dtype=jnp.float32)
    return {"indices": indices, "BB": BB, "MAXSMC": MAXSMC, "SATDK": SATDK, "SATPSI": SATPSI, "QTZ": QTZ}


def reference(indices, BB, MAXSMC, SATDK, SATPSI, QTZ):
    # Faithful translation of SoilParam.get_all_by_index (1-based -> 0-based gather)
    index = indices - 1
    bb = jnp.take(BB, index, axis=0).squeeze()
    maxSMC = jnp.take(MAXSMC, index, axis=0).squeeze()
    satdk = jnp.take(SATDK, index, axis=0).squeeze()
    satpsi = jnp.take(SATPSI, index, axis=0).squeeze()
    qtz = jnp.take(QTZ, index, axis=0).squeeze()
    return (bb, maxSMC, satdk, satpsi, qtz)

if __name__ == "__main__":
    import jax
    _d = setup_inputs()
    print(jax.jit(kernel)(*tuple(_d.values())))

</pallas_src>

<mosaic_0001>
#map = affine_map<(d0, d1) -> (0)>
module attributes {stable_mosaic.version = 14 : i64} {
  func.func @_sc_body(%arg0: i32, %arg1: i32, %arg2: memref<4194304xi32, #tpu.memory_space<hbm>>, %arg3: memref<96xf32, #tpu.memory_space<hbm>>, %arg4: memref<4194304xf32, #tpu.memory_space<hbm>>, %arg5: memref<4194304xf32, #tpu.memory_space<hbm>>, %arg6: memref<4194304xf32, #tpu.memory_space<hbm>>, %arg7: memref<4194304xf32, #tpu.memory_space<hbm>>, %arg8: memref<4194304xf32, #tpu.memory_space<hbm>>, %arg9: memref<96xf32, #tpu.memory_space<vmem>>, %arg10: memref<8192xi32, #tpu.memory_space<vmem>>, %arg11: memref<8192xi32, #tpu.memory_space<vmem>>, %arg12: memref<8192xf32, #tpu.memory_space<vmem>>, %arg13: memref<8192xf32, #tpu.memory_space<vmem>>, %arg14: memref<8192xf32, #tpu.memory_space<vmem>>, %arg15: memref<8192xf32, #tpu.memory_space<vmem>>, %arg16: memref<8192xf32, #tpu.memory_space<vmem>>, %arg17: memref<8192xf32, #tpu.memory_space<vmem>>, %arg18: memref<8192xf32, #tpu.memory_space<vmem>>, %arg19: memref<8192xf32, #tpu.memory_space<vmem>>, %arg20: memref<8192xf32, #tpu.memory_space<vmem>>, %arg21: memref<8192xf32, #tpu.memory_space<vmem>>, %arg22: memref<!tpu.dma_semaphore, #tpu.memory_space<semaphore_mem>>, %arg23: memref<!tpu.dma_semaphore, #tpu.memory_space<semaphore_mem>>, %arg24: memref<!tpu.dma_semaphore, #tpu.memory_space<semaphore_mem>>, %arg25: memref<!tpu.dma_semaphore, #tpu.memory_space<semaphore_mem>>) attributes {dimension_semantics = [#tpu.dimension_semantics<core_parallel>, #tpu.dimension_semantics<subcore_parallel>], iteration_bounds = array<i64: 2, 16>, scalar_prefetch = 0 : i64, scratch_operands = 17 : i64, tpu.core_type = #tpu.core_type<sc_vector_subcore>, window_params = [{transform_indices = #map}, {transform_indices = #map}, {transform_indices = #map}, {transform_indices = #map}, {transform_indices = #map}, {transform_indices = #map}, {transform_indices = #map}]} {
    %mul3A = arith.constant 2 : i32
    %mul3A_0 = arith.muli %arg1, %mul3A : i32
    %add3A = arith.addi %mul3A_0, %arg0 : i32
    %mul3A_1 = arith.constant 131072 : i32
    %mul3A_2 = arith.muli %add3A, %mul3A_1 : i32
    "tpu.region"() ({
      %run_scoped3A = tpu.sem_alloc : memref<!tpu.dma_semaphore, #tpu.memory_space<semaphore_mem>>
      tpu.enqueue_dma source(%arg3 : memref<96xf32, #tpu.memory_space<hbm>>) target(%arg9 : memref<96xf32, #tpu.memory_space<vmem>>) target_semaphore(%run_scoped3A : memref<!tpu.dma_semaphore, #tpu.memory_space<semaphore_mem>>)
      tpu.wait_dma2 semaphore(%run_scoped3A : memref<!tpu.dma_semaphore, #tpu.memory_space<semaphore_mem>>) src(%arg3 : memref<96xf32, #tpu.memory_space<hbm>>) dst(%arg9 : memref<96xf32, #tpu.memory_space<vmem>>)
      tpu.yield
    }) : () -> ()
    %add3A_3 = arith.constant 0 : i32
    %add3A_4 = arith.addi %mul3A_2, %add3A_3 : i32
    %dma_start3A = tpu.memref_slice %arg2[%add3A_4] : memref<4194304xi32, #tpu.memory_space<hbm>> -> memref<8192xi32, #tpu.memory_space<hbm>>
    %dma_start3A_5 = tpu.memref_slice %arg2[%add3A_4] : memref<4194304xi32, #tpu.memory_space<hbm>> -> memref<8192xi32, #tpu.memory_space<hbm>>
    tpu.enqueue_dma source(%dma_start3A_5 : memref<8192xi32, #tpu.memory_space<hbm>>) target(%arg10 : memref<8192xi32, #tpu.memory_space<vmem>>) target_semaphore(%arg22 : memref<!tpu.dma_semaphore, #tpu.memory_space<semaphore_mem>>)
    %add3A_6 = arith.constant 8192 : i32
    %add3A_7 = arith.addi %mul3A_2, %add3A_6 : i32
    %dma_start3A_8 = tpu.memref_slice %arg2[%add3A_7] : memref<4194304xi32, #tpu.memory_space<hbm>> -> memref<8192xi32, #tpu.memory_space<hbm>>
    %dma_start3A_9 = tpu.memref_slice %arg2[%add3A_7] : memref<4194304xi32, #tpu.memory_space<hbm>> -> memref<8192xi32, #tpu.memory_space<hbm>>
    tpu.enqueue_dma source(%dma_start3A_9 : memref<8192xi32, #tpu.memory_space<hbm>>) target(%arg11 : memref<8192xi32, #tpu.memory_space<vmem>>) target_semaphore(%arg23 : memref<!tpu.dma_semaphore, #tpu.memory_space<semaphore_mem>>)
    %scan3A = arith.constant 0 : i32
    %scan3A_10 = arith.constant 0 : i32
    %scan3A_11 = arith.constant 8 : i32
    %scan3A_12 = arith.addi %scan3A_10, %scan3A_11 : i32
    %scan3A_13 = arith.constant 1 : i32
    scf.for %scan3A_39 = %scan3A_10 to %scan3A_12 step %scan3A_13  : i32 {
      %mul3A_40 = arith.constant 2 : i32
      %mul3A_41 = arith.muli %mul3A_40, %scan3A_39 : i32
      %add3A_42 = arith.constant 0 : i32
      %add3A_43 = arith.addi %mul3A_41, %add3A_42 : i32
      %mul3A_44 = arith.constant 8192 : i32
      %mul3A_45 = arith.muli %add3A_43, %mul3A_44 : i32
      %add3A_46 = arith.addi %mul3A_2, %mul3A_45 : i32
      %multiple_of3A_47 = tpu.assume_multiple %add3A_46, 8192 : i32
      %dma_wait3A_48 = tpu.memref_slice %arg2[%multiple_of3A_47] : memref<4194304xi32, #tpu.memory_space<hbm>> -> memref<8192xi32, #tpu.memory_space<hbm>>
      %dma_wait3A_49 = tpu.memref_slice %arg2[%multiple_of3A_47] : memref<4194304xi32, #tpu.memory_space<hbm>> -> memref<8192xi32, #tpu.memory_space<hbm>>
      tpu.wait_dma2 semaphore(%arg22 : memref<!tpu.dma_semaphore, #tpu.memory_space<semaphore_mem>>) src(%dma_wait3A_49 : memref<8192xi32, #tpu.memory_space<hbm>>) dst(%arg10 : memref<8192xi32, #tpu.memory_space<vmem>>)
      %gt3A = arith.constant 0 : i32
      %gt3A_50 = arith.cmpi sgt, %scan3A_39, %gt3A : i32
      %convert_element_type3A = arith.extui %gt3A_50 : i1 to i32
      %cond3A = arith.constant 0 : i32
      %cond3A_51 = arith.cmpi ne, %convert_element_type3A, %cond3A : i32
      scf.if %cond3A_51 {
        %sub3A = arith.constant 16384 : i32
        %sub3A_105 = arith.subi %multiple_of3A_47, %sub3A : i32
        %multiple_of3A_106 = tpu.assume_multiple %sub3A_105, 8192 : i32
        %dma_wait3A_107 = tpu.memref_slice %arg4[%multiple_of3A_106] : memref<4194304xf32, #tpu.memory_space<hbm>> -> memref<8192xf32, #tpu.memory_space<hbm>>
        %dma_wait3A_108 = tpu.memref_slice %arg4[%multiple_of3A_106] : memref<4194304xf32, #tpu.memory_space<hbm>> -> memref<8192xf32, #tpu.memory_space<hbm>>
        tpu.wait_dma2 semaphore(%arg24 : memref<!tpu.dma_semaphore, #tpu.memory_space<semaphore_mem>>) src(%arg12 : memref<8192xf32, #tpu.memory_space<vmem>>) dst(%dma_wait3A_108 : memref<8192xf32, #tpu.memory_space<hbm>>)
        %dma_wait3A_109 = tpu.memref_slice %arg5[%multiple_of3A_106] : memref<4194304xf32, #tpu.memory_space<hbm>> -> memref<8192xf32, #tpu.memory_space<hbm>>
        %dma_wait3A_110 = tpu.memref_slice %arg5[%multiple_of3A_106] : memref<4194304xf32, #tpu.memory_space<hbm>> -> memref<8192xf32, #tpu.memory_space<hbm>>
        tpu.wait_dma2 semaphore(%arg24 : memref<!tpu.dma_semaphore, #tpu.memory_space<semaphore_mem>>) src(%arg13 : memref<8192xf32, #tpu.memory_space<vmem>>) dst(%dma_wait3A_110 : memref<8192xf32, #tpu.memory_space<hbm>>)
        %dma_wait3A_111 = tpu.memref_slice %arg6[%multiple_of3A_106] : memref<4194304xf32, #tpu.memory_space<hbm>> -> memref<8192xf32, #tpu.memory_space<hbm>>
        %dma_wait3A_112 = tpu.memref_slice %arg6[%multiple_of3A_106] : memref<4194304xf32, #tpu.memory_space<hbm>> -> memref<8192xf32, #tpu.memory_space<hbm>>
        tpu.wait_dma2 semaphore(%arg24 : memref<!tpu.dma_semaphore, #tpu.memory_space<semaphore_mem>>) src(%arg14 : memref<8192xf32, #tpu.memory_space<vmem>>) dst(%dma_wait3A_112 : memref<8192xf32, #tpu.memory_space<hbm>>)
        %dma_wait3A_113 = tpu.memref_slice %arg7[%multiple_of3A_106] : memref<4194304xf32, #tpu.memory_space<hbm>> -> memref<8192xf32, #tpu.memory_space<hbm>>
        %dma_wait3A_114 = tpu.memref_slice %arg7[%multiple_of3A_106] : memref<4194304xf32, #tpu.memory_space<hbm>> -> memref<8192xf32, #tpu.memory_space<hbm>>
        tpu.wait_dma2 semaphore(%arg24 : memref<!tpu.dma_semaphore, #tpu.memory_space<semaphore_mem>>) src(%arg15 : memref<8192xf32, #tpu.memory_space<vmem>>) dst(%dma_wait3A_114 : memref<8192xf32, #tpu.memory_space<hbm>>)
        %dma_wait3A_115 = tpu.memref_slice %arg8[%multiple_of3A_106] : memref<4194304xf32, #tpu.memory_space<hbm>> -> memref<8192xf32, #tpu.memory_space<hbm>>
        %dma_wait3A_116 = tpu.memref_slice %arg8[%multiple_of3A_106] : memref<4194304xf32, #tpu.memory_space<hbm>> -> memref<8192xf32, #tpu.memory_space<hbm>>
        tpu.wait_dma2 semaphore(%arg24 : memref<!tpu.dma_semaphore, #tpu.memory_space<semaphore_mem>>) src(%arg16 : memref<8192xf32, #tpu.memory_space<vmem>>) dst(%dma_wait3A_116 : memref<8192xf32, #tpu.memory_space<hbm>>)
      } else {
      }
      %parallel_loop3A = arith.constant 0 : i32
      %parallel_loop3A_52 = arith.constant 8192 : i32
      %parallel_loop3A_53 = arith.constant 16 : i32
      scf.for %parallel_loop3A_105 = %parallel_loop3A to %parallel_loop3A_52 step %parallel_loop3A_53  : i32 {
        %parallel_loop3A_106 = arith.index_cast %parallel_loop3A_105 : i32 to index
        %parallel_loop3A_107 = tpu.vector_load %arg10[%parallel_loop3A_106] {strides = array<i32>} : memref<8192xi32, #tpu.memory_space<vmem>>, vector<16xi32>,
        %parallel_loop3A_108 = arith.constant -1 : i32
        %parallel_loop3A_109 = vector.broadcast %parallel_loop3A_108 : i32 to vector<16xi32>
        %parallel_loop3A_110 = arith.addi %parallel_loop3A_107, %parallel_loop3A_109 : vector<16xi32>
        %parallel_loop3A_111 = tpu.vector_load_idx %arg9[%parallel_loop3A_110] : memref<96xf32, #tpu.memory_space<vmem>>[vector<16xi32>], vector<16xf32>,
        %parallel_loop3A_112 = arith.index_cast %parallel_loop3A_105 : i32 to index
        %parallel_loop3A_113 = tpu.vector_load %arg12[%parallel_loop3A_112] {strides = array<i32>} : memref<8192xf32, #tpu.memory_space<vmem>>, vector<16xf32>,
        tpu.vector_store %arg12[%parallel_loop3A_112], %parallel_loop3A_111 {strides = array<i32>} : memref<8192xf32, #tpu.memory_space<vmem>>, vector<16xf32>,
        %parallel_loop3A_114 = arith.constant 18 : i32
        %parallel_loop3A_115 = vector.broadcast %parallel_loop3A_114 : i32 to vector<16xi32>
        %parallel_loop3A_116 = arith.addi %parallel_loop3A_107, %parallel_loop3A_115 : vector<16xi32>
        %parallel_loop3A_117 = tpu.vector_load_idx %arg9[%parallel_loop3A_116] : memref<96xf32, #tpu.memory_space<vmem>>[vector<16xi32>], vector<16xf32>,
        %parallel_loop3A_118 = arith.index_cast %parallel_loop3A_105 : i32 to index
        %parallel_loop3A_119 = tpu.vector_load %arg13[%parallel_loop3A_118] {strides = array<i32>} : memref<8192xf32, #tpu.memory_space<vmem>>, vector<16xf32>,
        tpu.vector_store %arg13[%parallel_loop3A_118], %parallel_loop3A_117 {strides = array<i32>} : memref<8192xf32, #tpu.memory_space<vmem>>, vector<16xf32>,
        %parallel_loop3A_120 = arith.constant 37 : i32
        %parallel_loop3A_121 = vector.broadcast %parallel_loop3A_120 : i32 to vector<16xi32>
        %parallel_loop3A_122 = arith.addi %parallel_loop3A_107, %parallel_loop3A_121 : vector<16xi32>
        %parallel_loop3A_123 = tpu.vector_load_idx %arg9[%parallel_loop3A_122] : memref<96xf32, #tpu.memory_space<vmem>>[vector<16xi32>], vector<16xf32>,
        %parallel_loop3A_124 = arith.index_cast %parallel_loop3A_105 : i32 to index
        %parallel_loop3A_125 = tpu.vector_load %arg14[%parallel_loop3A_124] {strides = array<i32>} : memref<8192xf32, #tpu.memory_space<vmem>>, vector<16xf32>,
        tpu.vector_store %arg14[%parallel_loop3A_124], %parallel_loop3A_123 {strides = array<i32>} : memref<8192xf32, #tpu.memory_space<vmem>>, vector<16xf32>,
        %parallel_loop3A_126 = arith.constant 56 : i32
        %parallel_loop3A_127 = vector.broadcast %parallel_loop3A_126 : i32 to vector<16xi32>
        %parallel_loop3A_128 = arith.addi %parallel_loop3A_107, %parallel_loop3A_127 : vector<16xi32>
        %parallel_loop3A_129 = tpu.vector_load_idx %arg9[%parallel_loop3A_128] : memref<96xf32, #tpu.memory_space<vmem>>[vector<16xi32>], vector<16xf32>,
        %parallel_loop3A_130 = arith.index_cast %parallel_loop3A_105 : i32 to index
        %parallel_loop3A_131 = tpu.vector_load %arg15[%parallel_loop3A_130] {strides = array<i32>} : memref<8192xf32, #tpu.memory_space<vmem>>, vector<16xf32>,
        tpu.vector_store %arg15[%parallel_loop3A_130], %parallel_loop3A_129 {strides = array<i32>} : memref<8192xf32, #tpu.memory_space<vmem>>, vector<16xf32>,
        %parallel_loop3A_132 = arith.constant 75 : i32
        %parallel_loop3A_133 = vector.broadcast %parallel_loop3A_132 : i32 to vector<16xi32>
        %parallel_loop3A_134 = arith.addi %parallel_loop3A_107, %parallel_loop3A_133 : vector<16xi32>
        %parallel_loop3A_135 = tpu.vector_load_idx %arg9[%parallel_loop3A_134] : memref<96xf32, #tpu.memory_space<vmem>>[vector<16xi32>], vector<16xf32>,
        %parallel_loop3A_136 = arith.index_cast %parallel_loop3A_105 : i32 to index
        %parallel_loop3A_137 = tpu.vector_load %arg16[%parallel_loop3A_136] {strides = array<i32>} : memref<8192xf32, #tpu.memory_space<vmem>>, vector<16xf32>,
        tpu.vector_store %arg16[%parallel_loop3A_136], %parallel_loop3A_135 {strides = array<i32>} : memref<8192xf32, #tpu.memory_space<vmem>>, vector<16xf32>,
      } {sc.loop_unroll_factor = 8 : i64, sc.parallel_access}
      %add3A_54 = arith.constant 2 : i32
      %add3A_55 = arith.addi %add3A_43, %add3A_54 : i32
      %lt3A = arith.constant 16 : i32
      %lt3A_56 = arith.cmpi slt, %add3A_55, %lt3A : i32
      %convert_element_type3A_57 = arith.extui %lt3A_56 : i1 to i32
      %cond3A_58 = arith.constant 0 : i32
      %cond3A_59 = arith.cmpi ne, %convert_element_type3A_57, %cond3A_58 : i32
      scf.if %cond3A_59 {
        %add3A_105 = arith.constant 16384 : i32
        %add3A_106 = arith.addi %multiple_of3A_47, %add3A_105 : i32
        %multiple_of3A_107 = tpu.assume_multiple %add3A_106, 8192 : i32
        %dma_start3A_108 = tpu.memref_slice %arg2[%multiple_of3A_107] : memref<4194304xi32, #tpu.memory_space<hbm>> -> memref<8192xi32, #tpu.memory_space<hbm>>
        %dma_start3A_109 = tpu.memref_slice %arg2[%multiple_of3A_107] : memref<4194304xi32, #tpu.memory_space<hbm>> -> memref<8192xi32, #tpu.memory_space<hbm>>
        tpu.enqueue_dma source(%dma_start3A_109 : memref<8192xi32, #tpu.memory_space<hbm>>) target(%arg10 : memref<8192xi32, #tpu.memory_space<vmem>>) target_semaphore(%arg22 : memref<!tpu.dma_semaphore, #tpu.memory_space<semaphore_mem>>)
      } else {
      }
      %dma_start3A_60 = tpu.memref_slice %arg4[%multiple_of3A_47] : memref<4194304xf32, #tpu.memory_space<hbm>> -> memref<8192xf32, #tpu.memory_space<hbm>>
      %dma_start3A_61 = tpu.memref_slice %arg4[%multiple_of3A_47] : memref<4194304xf32, #tpu.memory_space<hbm>> -> memref<8192xf32, #tpu.memory_space<hbm>>
      tpu.enqueue_dma source(%arg12 : memref<8192xf32, #tpu.memory_space<vmem>>) target(%dma_start3A_61 : memref<8192xf32, #tpu.memory_space<hbm>>) target_semaphore(%arg24 : memref<!tpu.dma_semaphore, #tpu.memory_space<semaphore_mem>>)
      %dma_start3A_62 = tpu.memref_slice %arg5[%multiple_of3A_47] : memref<4194304xf32, #tpu.memory_space<hbm>> -> memref<8192xf32, #tpu.memory_space<hbm>>
      %dma_start3A_63 = tpu.memref_slice %arg5[%multiple_of3A_47] : memref<4194304xf32, #tpu.memory_space<hbm>> -> memref<8192xf32, #tpu.memory_space<hbm>>
      tpu.enqueue_dma source(%arg13 : memref<8192xf32, #tpu.memory_space<vmem>>) target(%dma_start3A_63 : memref<8192xf32, #tpu.memory_space<hbm>>) target_semaphore(%arg24 : memref<!tpu.dma_semaphore, #tpu.memory_space<semaphore_mem>>)
      %dma_start3A_64 = tpu.memref_slice %arg6[%multiple_of3A_47] : memref<4194304xf32, #tpu.memory_space<hbm>> -> memref<8192xf32, #tpu.memory_space<hbm>>
      %dma_start3A_65 = tpu.memref_slice %arg6[%multiple_of3A_47] : memref<4194304xf32, #tpu.memory_space<hbm>> -> memref<8192xf32, #tpu.memory_space<hbm>>
      tpu.enqueue_dma source(%arg14 : memref<8192xf32, #tpu.memory_space<vmem>>) target(%dma_start3A_65 : memref<8192xf32, #tpu.memory_space<hbm>>) target_semaphore(%arg24 : memref<!tpu.dma_semaphore, #tpu.memory_space<semaphore_mem>>)
      %dma_start3A_66 = tpu.memref_slice %arg7[%multiple_of3A_47] : memref<4194304xf32, #tpu.memory_space<hbm>> -> memref<8192xf32, #tpu.memory_space<hbm>>
      %dma_start3A_67 = tpu.memref_slice %arg7[%multiple_of3A_47] : memref<4194304xf32, #tpu.memory_space<hbm>> -> memref<8192xf32, #tpu.memory_space<hbm>>
      tpu.enqueue_dma source(%arg15 : memref<8192xf32, #tpu.memory_space<vmem>>) target(%dma_start3A_67 : memref<8192xf32, #tpu.memory_space<hbm>>) target_semaphore(%arg24 : memref<!tpu.dma_semaphore, #tpu.memory_space<semaphore_mem>>)
      %dma_start3A_68 = tpu.memref_slice %arg8[%multiple_of3A_47] : memref<4194304xf32, #tpu.memory_space<hbm>> -> memref<8192xf32, #tpu.memory_space<hbm>>
      %dma_start3A_69 = tpu.memref_slice %arg8[%multiple_of3A_47] : memref<4194304xf32, #tpu.memory_space<hbm>> -> memref<8192xf32, #tpu.memory_space<hbm>>
      tpu.enqueue_dma source(%arg16 : memref<8192xf32, #tpu.memory_space<vmem>>) target(%dma_start3A_69 : memref<8192xf32, #tpu.memory_space<hbm>>) target_semaphore(%arg24 : memref<!tpu.dma_semaphore, #tpu.memory_space<semaphore_mem>>)
      %mul3A_70 = arith.constant 2 : i32
      %mul3A_71 = arith.muli %mul3A_70, %scan3A_39 : i32
      %add3A_72 = arith.constant 1 : i32
      %add3A_73 = arith.addi %mul3A_71, %add3A_72 : i32
      %mul3A_74 = arith.constant 8192 : i32
      %mul3A_75 = arith.muli %add3A_73, %mul3A_74 : i32
      %add3A_76 = arith.addi %mul3A_2, %mul3A_75 : i32
      %multiple_of3A_77 = tpu.assume_multiple %add3A_76, 8192 : i32
      %dma_wait3A_78 = tpu.memref_slice %arg2[%multiple_of3A_77] : memref<4194304xi32, #tpu.memory_space<hbm>> -> memref<8192xi32, #tpu.memory_space<hbm>>
      %dma_wait3A_79 = tpu.memref_slice %arg2[%multiple_of3A_77] : memref<4194304xi32, #tpu.memory_space<hbm>> -> memref<8192xi32, #tpu.memory_space<hbm>>
      tpu.wait_dma2 semaphore(%arg23 : memref<!tpu.dma_semaphore, #tpu.memory_space<semaphore_mem>>) src(%dma_wait3A_79 : memref<8192xi32, #tpu.memory_space<hbm>>) dst(%arg11 : memref<8192xi32, #tpu.memory_space<vmem>>)
      %gt3A_80 = arith.constant 0 : i32
      %gt3A_81 = arith.cmpi sgt, %scan3A_39, %gt3A_80 : i32
      %convert_element_type3A_82 = arith.extui %gt3A_81 : i1 to i32
      %cond3A_83 = arith.constant 0 : i32
      %cond3A_84 = arith.cmpi ne, %convert_element_type3A_82, %cond3A_83 : i32
      scf.if %cond3A_84 {
        %sub3A = arith.constant 16384 : i32
        %sub3A_105 = arith.subi %multiple_of3A_77, %sub3A : i32
        %multiple_of3A_106 = tpu.assume_multiple %sub3A_105, 8192 : i32
        %dma_wait3A_107 = tpu.memref_slice %arg4[%multiple_of3A_106] : memref<4194304xf32, #tpu.memory_space<hbm>> -> memref<8192xf32, #tpu.memory_space<hbm>>
        %dma_wait3A_108 = tpu.memref_slice %arg4[%multiple_of3A_106] : memref<4194304xf32, #tpu.memory_space<hbm>> -> memref<8192xf32, #tpu.memory_space<hbm>>
        tpu.wait_dma2 semaphore(%arg25 : memref<!tpu.dma_semaphore, #tpu.memory_space<semaphore_mem>>) src(%arg17 : memref<8192xf32, #tpu.memory_space<vmem>>) dst(%dma_wait3A_108 : memref<8192xf32, #tpu.memory_space<hbm>>)
        %dma_wait3A_109 = tpu.memref_slice %arg5[%multiple_of3A_106] : memref<4194304xf32, #tpu.memory_space<hbm>> -> memref<8192xf32, #tpu.memory_space<hbm>>
        %dma_wait3A_110 = tpu.memref_slice %arg5[%multiple_of3A_106] : memref<4194304xf32, #tpu.memory_space<hbm>> -> memref<8192xf32, #tpu.memory_space<hbm>>
        tpu.wait_dma2 semaphore(%arg25 : memref<!tpu.dma_semaphore, #tpu.memory_space<semaphore_mem>>) src(%arg18 : memref<8192xf32, #tpu.memory_space<vmem>>) dst(%dma_wait3A_110 : memref<8192xf32, #tpu.memory_space<hbm>>)
        %dma_wait3A_111 = tpu.memref_slice %arg6[%multiple_of3A_106] : memref<4194304xf32, #tpu.memory_space<hbm>> -> memref<8192xf32, #tpu.memory_space<hbm>>
        %dma_wait3A_112 = tpu.memref_slice %arg6[%multiple_of3A_106] : memref<4194304xf32, #tpu.memory_space<hbm>> -> memref<8192xf32, #tpu.memory_space<hbm>>
        tpu.wait_dma2 semaphore(%arg25 : memref<!tpu.dma_semaphore, #tpu.memory_space<semaphore_mem>>) src(%arg19 : memref<8192xf32, #tpu.memory_space<vmem>>) dst(%dma_wait3A_112 : memref<8192xf32, #tpu.memory_space<hbm>>)
        %dma_wait3A_113 = tpu.memref_slice %arg7[%multiple_of3A_106] : memref<4194304xf32, #tpu.memory_space<hbm>> -> memref<8192xf32, #tpu.memory_space<hbm>>
        %dma_wait3A_114 = tpu.memref_slice %arg7[%multiple_of3A_106] : memref<4194304xf32, #tpu.memory_space<hbm>> -> memref<8192xf32, #tpu.memory_space<hbm>>
        tpu.wait_dma2 semaphore(%arg25 : memref<!tpu.dma_semaphore, #tpu.memory_space<semaphore_mem>>) src(%arg20 : memref<8192xf32, #tpu.memory_space<vmem>>) dst(%dma_wait3A_114 : memref<8192xf32, #tpu.memory_space<hbm>>)
        %dma_wait3A_115 = tpu.memref_slice %arg8[%multiple_of3A_106] : memref<4194304xf32, #tpu.memory_space<hbm>> -> memref<8192xf32, #tpu.memory_space<hbm>>
        %dma_wait3A_116 = tpu.memref_slice %arg8[%multiple_of3A_106] : memref<4194304xf32, #tpu.memory_space<hbm>> -> memref<8192xf32, #tpu.memory_space<hbm>>
        tpu.wait_dma2 semaphore(%arg25 : memref<!tpu.dma_semaphore, #tpu.memory_space<semaphore_mem>>) src(%arg21 : memref<8192xf32, #tpu.memory_space<vmem>>) dst(%dma_wait3A_116 : memref<8192xf32, #tpu.memory_space<hbm>>)
      } else {
      }
      %parallel_loop3A_85 = arith.constant 0 : i32
      %parallel_loop3A_86 = arith.constant 8192 : i32
      %parallel_loop3A_87 = arith.constant 16 : i32
      scf.for %parallel_loop3A_105 = %parallel_loop3A_85 to %parallel_loop3A_86 step %parallel_loop3A_87  : i32 {
        %parallel_loop3A_106 = arith.index_cast %parallel_loop3A_105 : i32 to index
        %parallel_loop3A_107 = tpu.vector_load %arg11[%parallel_loop3A_106] {strides = array<i32>} : memref<8192xi32, #tpu.memory_space<vmem>>, vector<16xi32>,
        %parallel_loop3A_108 = arith.constant -1 : i32
        %parallel_loop3A_109 = vector.broadcast %parallel_loop3A_108 : i32 to vector<16xi32>
        %parallel_loop3A_110 = arith.addi %parallel_loop3A_107, %parallel_loop3A_109 : vector<16xi32>
        %parallel_loop3A_111 = tpu.vector_load_idx %arg9[%parallel_loop3A_110] : memref<96xf32, #tpu.memory_space<vmem>>[vector<16xi32>], vector<16xf32>,
        %parallel_loop3A_112 = arith.index_cast %parallel_loop3A_105 : i32 to index
        %parallel_loop3A_113 = tpu.vector_load %arg17[%parallel_loop3A_112] {strides = array<i32>} : memref<8192xf32, #tpu.memory_space<vmem>>, vector<16xf32>,
        tpu.vector_store %arg17[%parallel_loop3A_112], %parallel_loop3A_111 {strides = array<i32>} : memref<8192xf32, #tpu.memory_space<vmem>>, vector<16xf32>,
        %parallel_loop3A_114 = arith.constant 18 : i32
        %parallel_loop3A_115 = vector.broadcast %parallel_loop3A_114 : i32 to vector<16xi32>
        %parallel_loop3A_116 = arith.addi %parallel_loop3A_107, %parallel_loop3A_115 : vector<16xi32>
        %parallel_loop3A_117 = tpu.vector_load_idx %arg9[%parallel_loop3A_116] : memref<96xf32, #tpu.memory_space<vmem>>[vector<16xi32>], vector<16xf32>,
        %parallel_loop3A_118 = arith.index_cast %parallel_loop3A_105 : i32 to index
        %parallel_loop3A_119 = tpu.vector_load %arg18[%parallel_loop3A_118] {strides = array<i32>} : memref<8192xf32, #tpu.memory_space<vmem>>, vector<16xf32>,
        tpu.vector_store %arg18[%parallel_loop3A_118], %parallel_loop3A_117 {strides = array<i32>} : memref<8192xf32, #tpu.memory_space<vmem>>, vector<16xf32>,
        %parallel_loop3A_120 = arith.constant 37 : i32
        %parallel_loop3A_121 = vector.broadcast %parallel_loop3A_120 : i32 to vector<16xi32>
        %parallel_loop3A_122 = arith.addi %parallel_loop3A_107, %parallel_loop3A_121 : vector<16xi32>
        %parallel_loop3A_123 = tpu.vector_load_idx %arg9[%parallel_loop3A_122] : memref<96xf32, #tpu.memory_space<vmem>>[vector<16xi32>], vector<16xf32>,
        %parallel_loop3A_124 = arith.index_cast %parallel_loop3A_105 : i32 to index
        %parallel_loop3A_125 = tpu.vector_load %arg19[%parallel_loop3A_124] {strides = array<i32>} : memref<8192xf32, #tpu.memory_space<vmem>>, vector<16xf32>,
        tpu.vector_store %arg19[%parallel_loop3A_124], %parallel_loop3A_123 {strides = array<i32>} : memref<8192xf32, #tpu.memory_space<vmem>>, vector<16xf32>,
        %parallel_loop3A_126 = arith.constant 56 : i32
        %parallel_loop3A_127 = vector.broadcast %parallel_loop3A_126 : i32 to vector<16xi32>
        %parallel_loop3A_128 = arith.addi %parallel_loop3A_107, %parallel_loop3A_127 : vector<16xi32>
        %parallel_loop3A_129 = tpu.vector_load_idx %arg9[%parallel_loop3A_128] : memref<96xf32, #tpu.memory_space<vmem>>[vector<16xi32>], vector<16xf32>,
        %parallel_loop3A_130 = arith.index_cast %parallel_loop3A_105 : i32 to index
        %parallel_loop3A_131 = tpu.vector_load %arg20[%parallel_loop3A_130] {strides = array<i32>} : memref<8192xf32, #tpu.memory_space<vmem>>, vector<16xf32>,
        tpu.vector_store %arg20[%parallel_loop3A_130], %parallel_loop3A_129 {strides = array<i32>} : memref<8192xf32, #tpu.memory_space<vmem>>, vector<16xf32>,
        %parallel_loop3A_132 = arith.constant 75 : i32
        %parallel_loop3A_133 = vector.broadcast %parallel_loop3A_132 : i32 to vector<16xi32>
        %parallel_loop3A_134 = arith.addi %parallel_loop3A_107, %parallel_loop3A_133 : vector<16xi32>
        %parallel_loop3A_135 = tpu.vector_load_idx %arg9[%parallel_loop3A_134] : memref<96xf32, #tpu.memory_space<vmem>>[vector<16xi32>], vector<16xf32>,
        %parallel_loop3A_136 = arith.index_cast %parallel_loop3A_105 : i32 to index
        %parallel_loop3A_137 = tpu.vector_load %arg21[%parallel_loop3A_136] {strides = array<i32>} : memref<8192xf32, #tpu.memory_space<vmem>>, vector<16xf32>,
        tpu.vector_store %arg21[%parallel_loop3A_136], %parallel_loop3A_135 {strides = array<i32>} : memref<8192xf32, #tpu.memory_space<vmem>>, vector<16xf32>,
      } {sc.loop_unroll_factor = 8 : i64, sc.parallel_access}
      %add3A_88 = arith.constant 2 : i32
      %add3A_89 = arith.addi %add3A_73, %add3A_88 : i32
      %lt3A_90 = arith.constant 16 : i32
      %lt3A_91 = arith.cmpi slt, %add3A_89, %lt3A_90 : i32
      %convert_element_type3A_92 = arith.extui %lt3A_91 : i1 to i32
      %cond3A_93 = arith.constant 0 : i32
      %cond3A_94 = arith.cmpi ne, %convert_element_type3A_92, %cond3A_93 : i32
      scf.if %cond3A_94 {
        %add3A_105 = arith.constant 16384 : i32
        %add3A_106 = arith.addi %multiple_of3A_77, %add3A_105 : i32
        %multiple_of3A_107 = tpu.assume_multiple %add3A_106, 8192 : i32
        %dma_start3A_108 = tpu.memref_slice %arg2[%multiple_of3A_107] : memref<4194304xi32, #tpu.memory_space<hbm>> -> memref<8192xi32, #tpu.memory_space<hbm>>
        %dma_start3A_109 = tpu.memref_slice %arg2[%multiple_of3A_107] : memref<4194304xi32, #tpu.memory_space<hbm>> -> memref<8192xi32, #tpu.memory_space<hbm>>
        tpu.enqueue_dma source(%dma_start3A_109 : memref<8192xi32, #tpu.memory_space<hbm>>) target(%arg11 : memref<8192xi32, #tpu.memory_space<vmem>>) target_semaphore(%arg23 : memref<!tpu.dma_semaphore, #tpu.memory_space<semaphore_mem>>)
      } else {
      }
      %dma_start3A_95 = tpu.memref_slice %arg4[%multiple_of3A_77] : memref<4194304xf32, #tpu.memory_space<hbm>> -> memref<8192xf32, #tpu.memory_space<hbm>>
      %dma_start3A_96 = tpu.memref_slice %arg4[%multiple_of3A_77] : memref<4194304xf32, #tpu.memory_space<hbm>> -> memref<8192xf32, #tpu.memory_space<hbm>>
      tpu.enqueue_dma source(%arg17 : memref<8192xf32, #tpu.memory_space<vmem>>) target(%dma_start3A_96 : memref<8192xf32, #tpu.memory_space<hbm>>) target_semaphore(%arg25 : memref<!tpu.dma_semaphore, #tpu.memory_space<semaphore_mem>>)
      %dma_start3A_97 = tpu.memref_slice %arg5[%multiple_of3A_77] : memref<4194304xf32, #tpu.memory_space<hbm>> -> memref<8192xf32, #tpu.memory_space<hbm>>
      %dma_start3A_98 = tpu.memref_slice %arg5[%multiple_of3A_77] : memref<4194304xf32, #tpu.memory_space<hbm>> -> memref<8192xf32, #tpu.memory_space<hbm>>
      tpu.enqueue_dma source(%arg18 : memref<8192xf32, #tpu.memory_space<vmem>>) target(%dma_start3A_98 : memref<8192xf32, #tpu.memory_space<hbm>>) target_semaphore(%arg25 : memref<!tpu.dma_semaphore, #tpu.memory_space<semaphore_mem>>)
      %dma_start3A_99 = tpu.memref_slice %arg6[%multiple_of3A_77] : memref<4194304xf32, #tpu.memory_space<hbm>> -> memref<8192xf32, #tpu.memory_space<hbm>>
      %dma_start3A_100 = tpu.memref_slice %arg6[%multiple_of3A_77] : memref<4194304xf32, #tpu.memory_space<hbm>> -> memref<8192xf32, #tpu.memory_space<hbm>>
      tpu.enqueue_dma source(%arg19 : memref<8192xf32, #tpu.memory_space<vmem>>) target(%dma_start3A_100 : memref<8192xf32, #tpu.memory_space<hbm>>) target_semaphore(%arg25 : memref<!tpu.dma_semaphore, #tpu.memory_space<semaphore_mem>>)
      %dma_start3A_101 = tpu.memref_slice %arg7[%multiple_of3A_77] : memref<4194304xf32, #tpu.memory_space<hbm>> -> memref<8192xf32, #tpu.memory_space<hbm>>
      %dma_start3A_102 = tpu.memref_slice %arg7[%multiple_of3A_77] : memref<4194304xf32, #tpu.memory_space<hbm>> -> memref<8192xf32, #tpu.memory_space<hbm>>
      tpu.enqueue_dma source(%arg20 : memref<8192xf32, #tpu.memory_space<vmem>>) target(%dma_start3A_102 : memref<8192xf32, #tpu.memory_space<hbm>>) target_semaphore(%arg25 : memref<!tpu.dma_semaphore, #tpu.memory_space<semaphore_mem>>)
      %dma_start3A_103 = tpu.memref_slice %arg8[%multiple_of3A_77] : memref<4194304xf32, #tpu.memory_space<hbm>> -> memref<8192xf32, #tpu.memory_space<hbm>>
      %dma_start3A_104 = tpu.memref_slice %arg8[%multiple_of3A_77] : memref<4194304xf32, #tpu.memory_space<hbm>> -> memref<8192xf32, #tpu.memory_space<hbm>>
      tpu.enqueue_dma source(%arg21 : memref<8192xf32, #tpu.memory_space<vmem>>) target(%dma_start3A_104 : memref<8192xf32, #tpu.memory_space<hbm>>) target_semaphore(%arg25 : memref<!tpu.dma_semaphore, #tpu.memory_space<semaphore_mem>>)
    }
    %scan3A_14 = arith.constant 8 : i32
    %add3A_15 = arith.constant 114688 : i32
    %add3A_16 = arith.addi %mul3A_2, %add3A_15 : i32
    %multiple_of3A = tpu.assume_multiple %add3A_16, 8192 : i32
    %dma_wait3A = tpu.memref_slice %arg4[%multiple_of3A] : memref<4194304xf32, #tpu.memory_space<hbm>> -> memref<8192xf32, #tpu.memory_space<hbm>>
    %dma_wait3A_17 = tpu.memref_slice %arg4[%multiple_of3A] : memref<4194304xf32, #tpu.memory_space<hbm>> -> memref<8192xf32, #tpu.memory_space<hbm>>
    tpu.wait_dma2 semaphore(%arg24 : memref<!tpu.dma_semaphore, #tpu.memory_space<semaphore_mem>>) src(%arg12 : memref<8192xf32, #tpu.memory_space<vmem>>) dst(%dma_wait3A_17 : memref<8192xf32, #tpu.memory_space<hbm>>)
    %dma_wait3A_18 = tpu.memref_slice %arg5[%multiple_of3A] : memref<4194304xf32, #tpu.memory_space<hbm>> -> memref<8192xf32, #tpu.memory_space<hbm>>
    %dma_wait3A_19 = tpu.memref_slice %arg5[%multiple_of3A] : memref<4194304xf32, #tpu.memory_space<hbm>> -> memref<8192xf32, #tpu.memory_space<hbm>>
    tpu.wait_dma2 semaphore(%arg24 : memref<!tpu.dma_semaphore, #tpu.memory_space<semaphore_mem>>) src(%arg13 : memref<8192xf32, #tpu.memory_space<vmem>>) dst(%dma_wait3A_19 : memref<8192xf32, #tpu.memory_space<hbm>>)
    %dma_wait3A_20 = tpu.memref_slice %arg6[%multiple_of3A] : memref<4194304xf32, #tpu.memory_space<hbm>> -> memref<8192xf32, #tpu.memory_space<hbm>>
    %dma_wait3A_21 = tpu.memref_slice %arg6[%multiple_of3A] : memref<4194304xf32, #tpu.memory_space<hbm>> -> memref<8192xf32, #tpu.memory_space<hbm>>
    tpu.wait_dma2 semaphore(%arg24 : memref<!tpu.dma_semaphore, #tpu.memory_space<semaphore_mem>>) src(%arg14 : memref<8192xf32, #tpu.memory_space<vmem>>) dst(%dma_wait3A_21 : memref<8192xf32, #tpu.memory_space<hbm>>)
    %dma_wait3A_22 = tpu.memref_slice %arg7[%multiple_of3A] : memref<4194304xf32, #tpu.memory_space<hbm>> -> memref<8192xf32, #tpu.memory_space<hbm>>
    %dma_wait3A_23 = tpu.memref_slice %arg7[%multiple_of3A] : memref<4194304xf32, #tpu.memory_space<hbm>> -> memref<8192xf32, #tpu.memory_space<hbm>>
    tpu.wait_dma2 semaphore(%arg24 : memref<!tpu.dma_semaphore, #tpu.memory_space<semaphore_mem>>) src(%arg15 : memref<8192xf32, #tpu.memory_space<vmem>>) dst(%dma_wait3A_23 : memref<8192xf32, #tpu.memory_space<hbm>>)
    %dma_wait3A_24 = tpu.memref_slice %arg8[%multiple_of3A] : memref<4194304xf32, #tpu.memory_space<hbm>> -> memref<8192xf32, #tpu.memory_space<hbm>>
    %dma_wait3A_25 = tpu.memref_slice %arg8[%multiple_of3A] : memref<4194304xf32, #tpu.memory_space<hbm>> -> memref<8192xf32, #tpu.memory_space<hbm>>
    tpu.wait_dma2 semaphore(%arg24 : memref<!tpu.dma_semaphore, #tpu.memory_space<semaphore_mem>>) src(%arg16 : memref<8192xf32, #tpu.memory_space<vmem>>) dst(%dma_wait3A_25 : memref<8192xf32, #tpu.memory_space<hbm>>)
    %add3A_26 = arith.constant 122880 : i32
    %add3A_27 = arith.addi %mul3A_2, %add3A_26 : i32
    %multiple_of3A_28 = tpu.assume_multiple %add3A_27, 8192 : i32
    %dma_wait3A_29 = tpu.memref_slice %arg4[%multiple_of3A_28] : memref<4194304xf32, #tpu.memory_space<hbm>> -> memref<8192xf32, #tpu.memory_space<hbm>>
    %dma_wait3A_30 = tpu.memref_slice %arg4[%multiple_of3A_28] : memref<4194304xf32, #tpu.memory_space<hbm>> -> memref<8192xf32, #tpu.memory_space<hbm>>
    tpu.wait_dma2 semaphore(%arg25 : memref<!tpu.dma_semaphore, #tpu.memory_space<semaphore_mem>>) src(%arg17 : memref<8192xf32, #tpu.memory_space<vmem>>) dst(%dma_wait3A_30 : memref<8192xf32, #tpu.memory_space<hbm>>)
    %dma_wait3A_31 = tpu.memref_slice %arg5[%multiple_of3A_28] : memref<4194304xf32, #tpu.memory_space<hbm>> -> memref<8192xf32, #tpu.memory_space<hbm>>
    %dma_wait3A_32 = tpu.memref_slice %arg5[%multiple_of3A_28] : memref<4194304xf32, #tpu.memory_space<hbm>> -> memref<8192xf32, #tpu.memory_space<hbm>>
    tpu.wait_dma2 semaphore(%arg25 : memref<!tpu.dma_semaphore, #tpu.memory_space<semaphore_mem>>) src(%arg18 : memref<8192xf32, #tpu.memory_space<vmem>>) dst(%dma_wait3A_32 : memref<8192xf32, #tpu.memory_space<hbm>>)
    %dma_wait3A_33 = tpu.memref_slice %arg6[%multiple_of3A_28] : memref<4194304xf32, #tpu.memory_space<hbm>> -> memref<8192xf32, #tpu.memory_space<hbm>>
    %dma_wait3A_34 = tpu.memref_slice %arg6[%multiple_of3A_28] : memref<4194304xf32, #tpu.memory_space<hbm>> -> memref<8192xf32, #tpu.memory_space<hbm>>
    tpu.wait_dma2 semaphore(%arg25 : memref<!tpu.dma_semaphore, #tpu.memory_space<semaphore_mem>>) src(%arg19 : memref<8192xf32, #tpu.memory_space<vmem>>) dst(%dma_wait3A_34 : memref<8192xf32, #tpu.memory_space<hbm>>)
    %dma_wait3A_35 = tpu.memref_slice %arg7[%multiple_of3A_28] : memref<4194304xf32, #tpu.memory_space<hbm>> -> memref<8192xf32, #tpu.memory_space<hbm>>
    %dma_wait3A_36 = tpu.memref_slice %arg7[%multiple_of3A_28] : memref<4194304xf32, #tpu.memory_space<hbm>> -> memref<8192xf32, #tpu.memory_space<hbm>>
    tpu.wait_dma2 semaphore(%arg25 : memref<!tpu.dma_semaphore, #tpu.memory_space<semaphore_mem>>) src(%arg20 : memref<8192xf32, #tpu.memory_space<vmem>>) dst(%dma_wait3A_36 : memref<8192xf32, #tpu.memory_space<hbm>>)
    %dma_wait3A_37 = tpu.memref_slice %arg8[%multiple_of3A_28] : memref<4194304xf32, #tpu.memory_space<hbm>> -> memref<8192xf32, #tpu.memory_space<hbm>>
    %dma_wait3A_38 = tpu.memref_slice %arg8[%multiple_of3A_28] : memref<4194304xf32, #tpu.memory_space<hbm>> -> memref<8192xf32, #tpu.memory_space<hbm>>
    tpu.wait_dma2 semaphore(%arg25 : memref<!tpu.dma_semaphore, #tpu.memory_space<semaphore_mem>>) src(%arg21 : memref<8192xf32, #tpu.memory_space<vmem>>) dst(%dma_wait3A_38 : memref<8192xf32, #tpu.memory_space<hbm>>)
    return
  }
}

</mosaic_0001>

<sc_bundles>
// kernel: kernel.3.cloned.1.call-start
scs
__scs_entry_jumppad:
0x0: {  	(pc) =	sbr.rel $0x88, $3  }
0x1: {  	(tag) =	ssettag $0x0;
	lr =	simm.s32 $0x1  }
0x2: {  	[smem:$0x3F9B] =	sst lr;
	_ =	strace $0xD0000000  }
0x3: {  	_ = 	snop  }
0x4: {  	_ = 	snop  }
0x5: {  	_ = 	snop  }
0x6: {  	_ = 	snop  }
0x7: {  	_ = 	snop  }
__scs_overlays_trampoline_lowered:
0x8: {  	[smem:$0x3FAA] =	sst s0  }
0x9: {  	[smem:$0x3FAB] =	sst s1  }
0xa: {  	[smem:$0x3FAC] =	sst s2  }
0xb: {  	[smem:$0x3FAD] =	sst s3  }
0xc: {  	[smem:$0x3FAE] =	sst s4  }
0xd: {  	[smem:$0x3FAF] =	sst s5  }
0xe: {  	[smem:$0x3FB0] =	sst s6  }
0xf: {  	[smem:$0x3FB1] =	sst s7  }
0x10: {  	[smem:$0x3FB2] =	sst s8  }
0x11: {  	[smem:$0x3FB3] =	sst s9;
	s0 =	simm.s32 @!p0 $0x0  }
0x12: {  	s1 =	sld [smem:$0x3F99];
	s0 =	simm.s32 @p0 $0x1  }
0x13: {  	[smem:$0x3FB4] =	sst s0;
	s0 =	simm.s32 @!p1 $0x0  }
0x14: {  	s2 =	sld [smem:$0x3F98];
	s0 =	simm.s32 @p1 $0x1  }
0x15: {  	[smem:$0x3FB5] =	sst s0;
	s0 =	simm.s32 @!p2 $0x0  }
0x16: {  	s3 =	sld [smem:$0x3FDB];
	s0 =	simm.s32 @p2 $0x1  }
0x17: {  	s4 =	simm.s32 $0x1BF5;
	[smem:$0x3FB7] =	sst s0  }
0x18: {  	s0 =	sld [smem:$0x3F9A];
	_ =	swait.ge [sflag:s4], $0x0  }
0x19: {  	s7 =	sld [smem:$0x3F9B]  }
0x1a: {  	s8 =	sadd.s32 $0xFFFFE003, lr  }
0x1b: {  	s9 =	sadd.s32 $0xFFFFFEF7, lr;
	s5 =	simm.s32 $0xFFFFFFFF;
	p2 =	slt.u32 s8, $0xFFFFF086  }
0x1c: {  	p1 =	slt.u32 s9, $0xF7A;
	s5 =	simm.s32 @!p2 $0x0  }
0x1d: {  	s5 =	simm.s32 @p1 $0x1;
	p0 =	seq.s32 s7, s2  }
0x1e: {  	s7 =	smul.u32 @!p0 $0xF7A, s2;
	p2 =	seq.s32 @!p0 s5, $0x0  }
0x1f: {  	s9 =	smul.u32 $0xF7A, s1;
	s8 =	simm.s32 @!p0 $0x1BF5;
	p2 =	por !p2, p0  }
0x20: {  	[sflag:s8] =	ssyncset.s32 @!p0 $0xFFFFF086;
	s6 =	sadd.s32 @!p0 s3, s7;
	s7 =	simm.s32 @!p0 $0x108  }
0x21: {  	s3 =	sadd.s32 s3, s9;
	s6 =	sadd.s32 @!p0 $0x88, s6;
	s7 =	simm.s32 @p2 $0x1082  }
0x22: {  	[simem:s7], [sflag:s8] =	dma.local @!p0 [hbm:s6], $0xF7A  }
0x23: {  	s9 =	sor.u32 $0xD0000000, s2;
	s6 =	simm.s32 $0x108;
	_ =	swait.ge @!p0 [sflag:s8], $0x0  }
0x24: {  	s3 =	sadd.s32 $0x88, s3;
	s6 =	simm.s32 @!p1 $0x1082;
	[sflag:s4] =	ssyncset.s32 $0xFFFFF086  }
0x25: {  	[simem:s6], [sflag:s4] =	dma.local [hbm:s3], $0xF7A  }
0x26: {  	[smem:$0x3F9B] =	sst s1;
	(tag) =	ssettag s2;
	_ =	strace s9  }
0x27: {  	s1 =	sld [smem:$0x3FAB]  }
0x28: {  	s2 =	sld [smem:$0x3FAC]  }
0x29: {  	s4 =	sld [smem:$0x3FAE]  }
0x2a: {  	p0 =	seq.s32 s5, $0x0;
	s5 =	sld [smem:$0x3FAF]  }
0x2b: {  	s6 =	sld [smem:$0x3FB0]  }
0x2c: {  	s7 =	sld [smem:$0x3FB1]  }
0x2d: {  	s3 =	simm.s32 $0x108;
	s8 =	sld [smem:$0x3FB2]  }
0x2e: {  	s3 =	simm.s32 @!p0 $0x1082;
	s9 =	sld [smem:$0x3FB3]  }
0x2f: {  	lr =	sadd.s32 s0, s3;
	s0 =	sld [smem:$0x3FAA]  }
0x30: {  	s3 =	sld [smem:$0x3FAD]  }
0x31: {  	[smem:$0x3FB6] =	sst s10  }
0x32: {  	s10 =	sld [smem:$0x3FB4];
	_ =	sdelay $0x3  }
0x33: {  	p0 =	seq.s32 s10, $0x1;
	s10 =	sld [smem:$0x3FB6];
	_ =	sdelay $0x3  }
0x34: {  	[smem:$0x3FB6] =	sst s10  }
0x35: {  	s10 =	sld [smem:$0x3FB5];
	_ =	sdelay $0x3  }
0x36: {  	p1 =	seq.s32 s10, $0x1;
	s10 =	sld [smem:$0x3FB6];
	_ =	sdelay $0x3  }
0x37: {  	[smem:$0x3FB6] =	sst s10  }
0x38: {  	s10 =	sld [smem:$0x3FB7]  }
0x39: {  	_ = 	snop;
	(pc) =	sbr.ind lr, $3  }
0x3a: {  	_ = 	snop  }
0x3b: {  	_ = 	snop  }
0x3c: {  	p2 =	seq.s32 s10, $0x1;
	s10 =	sld [smem:$0x3FB6]  }
0x3d: {  	_ =	shalt  }
0x3e: {  	_ =	shalt  }
0x3f: {  	_ =	shalt  }
0x40: {  	_ =	shalt  }
0x41: {  	_ =	shalt  }
0x42: {  	_ =	shalt  }
0x43: {  	_ =	shalt  }
0x44: {  	_ =	shalt  }
0x45: {  	_ =	shalt  }
0x46: {  	_ =	shalt  }
0x47: {  	_ =	shalt  }
0x48: {  	_ =	shalt  }
0x49: {  	_ =	shalt  }
0x4a: {  	_ =	shalt  }
0x4b: {  	_ =	shalt  }
0x4c: {  	_ =	shalt  }
0x4d: {  	_ =	shalt  }
0x4e: {  	_ =	shalt  }
0x4f: {  	_ =	shalt  }
0x50: {  	_ =	shalt  }
0x51: {  	_ =	shalt  }
0x52: {  	_ =	shalt  }
0x53: {  	_ =	shalt  }
0x54: {  	_ =	shalt  }
0x55: {  	_ =	shalt  }
0x56: {  	_ =	shalt  }
0x57: {  	_ =	shalt  }
0x58: {  	_ =	shalt  }
0x59: {  	_ =	shalt  }
0x5a: {  	_ =	shalt  }
0x5b: {  	_ =	shalt  }
0x5c: {  	_ =	shalt  }
0x5d: {  	_ =	shalt  }
0x5e: {  	_ =	shalt  }
0x5f: {  	_ =	shalt  }
0x60: {  	_ =	shalt  }
0x61: {  	_ =	shalt  }
0x62: {  	_ =	shalt  }
0x63: {  	_ =	shalt  }
0x64: {  	_ =	shalt  }
0x65: {  	_ =	shalt  }
0x66: {  	_ =	shalt  }
0x67: {  	_ =	shalt  }
0x68: {  	_ =	shalt  }
0x69: {  	_ =	shalt  }
0x6a: {  	_ =	shalt  }
0x6b: {  	_ =	shalt  }
0x6c: {  	_ =	shalt  }
0x6d: {  	_ =	shalt  }
0x6e: {  	_ =	shalt  }
0x6f: {  	_ =	shalt  }
0x70: {  	_ =	shalt  }
0x71: {  	_ =	shalt  }
0x72: {  	_ =	shalt  }
0x73: {  	_ =	shalt  }
0x74: {  	_ =	shalt  }
0x75: {  	_ =	shalt  }
0x76: {  	_ =	shalt  }
0x77: {  	_ =	shalt  }
0x78: {  	_ =	shalt  }
0x79: {  	_ =	shalt  }
0x7a: {  	_ =	shalt  }
0x7b: {  	_ =	shalt  }
0x7c: {  	_ =	shalt  }
0x7d: {  	_ =	shalt  }
0x7e: {  	_ =	shalt  }
0x7f: {  	_ =	shalt  }
0x80: {  	_ =	shalt  }
0x81: {  	_ =	shalt  }
0x82: {  	_ =	shalt  }
0x83: {  	_ =	shalt  }
0x84: {  	_ =	shalt  }
0x85: {  	_ =	shalt  }
0x86: {  	_ =	shalt  }
0x87: {  	_ =	shalt  }
.Lfunc_end0:
.L_simem_size_0:
called_computation_lowered:
.L_overlay_start_0:
0x88: {  	s2 =	sld [smem:$0x3FD9]  }
0x89: {  	s3 =	sld [smem:$0x3FFE];
	_ =	sdelay $0x1  }
0x8a: {  	s1 =	srdreg.scid  }
0x8b: {  	s0 =	sand.u32 $0x1, s1  }
0x8c: {  	s14 =	sshll.u32 s0, $0xA;
	s2 =	sadd.s32 s3, s2  }
0x8d: {  	s2 =	sadd.s32 s2, s14  }
0x8e: {  	[smem:$0x3FC2] =	sst s2  }
0x8f: {  	_ = 	snop  }
0x90: {  	s2 =	sld [smem:$0x3FD0];
	_ =	sdelay $0x2  }
0x91: {  	s4 =	simm.s32 $0xA;
	s5 =	simm.s32 $0x10;
	s15 =	sld [smem:$0x3FC9]  }
0x92: {  	[smem:s5], [sflag:s4] =	dma.local [hbm:s2], $0x1  }
0x93: {  	_ =	swait.eq [sflag:s4], $0x1  }
0x94: {  	s16 =	sld [smem:$0x10]  }
0x95: {  	s17 =	sld [smem:$0x11]  }
0x96: {  	s6 =	sld [smem:$0x12];
	[sflag:s4] =	ssyncset.done $0x0  }
0x97: {  	s7 =	sld [smem:$0x13];
	[sflag:s4] =	ssyncadd.s32 $0xFFFFFFFF  }
0x98: {  	s18 =	sld [smem:$0x14];
	(tm) =	ssettm $0x1  }
0x99: {  	s8 =	sld [smem:$0x3FFB];
	_ =	sdelay $0x3  }
0x9a: {  	_ =	strace s8  }
0x9b: {  	s8 =	sld [smem:$0x3FFC];
	_ =	sdelay $0x3  }
0x9c: {  	_ =	strace s8  }
0x9d: {  	s8 =	sld [smem:$0x3FFD];
	_ =	sdelay $0x3  }
0x9e: {  	_ =	strace s8  }
0x9f: {  	_ =	strace $0x8FFFFFFF  }
0xa0: {  	s19 =	sld [smem:$0x3FDB];
	_ =	sdelay $0x1  }
0xa1: {  	s9 =	simm.s32 $_scs_section_size  }
0xa2: {  	s10 =	simm.s32 $_size__tile_overlayer_lowered;
	s11 =	simm.s32 $_tile_overlayer_lowered  }
0xa3: {  	s22 =	simm.s32 $0x1BFF;
	s21 =	sshll.u32 s11, $0x1;
	s8 =	sadd.s32 s9, s19  }
0xa4: {  	s12 =	simm.s32 $0x0;
	s20 =	sshll.u32 s10, $0x1;
	s10 =	sadd.s32 s21, s8  }
0xa5: {  	[timem:s12], [sflag:s22] =	dma.local [hbm:s10], s20  }
0xa6: {  	_ =	swait.ge [sflag:s22], s20  }
0xa7: {  	s9 =	ssub.s32 $0x0, s20;
	[sflag:s22] =	ssyncset.done $0x0  }
0xa8: {  	[sflag:s22] =	ssyncadd.s32 s9;
	_ =	sdelay $0x1  }
0xa9: {  	s23 =	simm.s32 $0x1B8B  }
0xaa: {  	_ =	swait.ge [sflag:s23], $0x1  }
0xab: {  	[sflag:s23] =	ssyncset.done $0x0  }
0xac: {  	s25 =	simm.s32 $0x1B8E;
	s24 =	sld [smem:$0x3FFE];
	[sflag:s23] =	ssyncadd.s32 $0xFFFFFFFF  }
0xad: {  	s26 =	simm.s32 $execute0_lowered;
	[smem:$0x3FD2] =	sst s25  }
0xae: {  	s10 =	sshll.u32 s26, $0x1;
	_ =	strace $0x80000046;
	[dreg:$0x1] =	wrdreg $0xFFFFFFFF  }
0xaf: {  	s28 =	simm.s32 $_size_execute0_lowered;
	s8 =	sadd.s32 s8, s10;
	[dreg:$0x0] =	wrdreg $0x0  }
0xb0: {  	s10 =	sshll.u32 s28, $0x1;
	[dreg:$0x2] =	wrdreg s8  }
0xb1: {  	[dreg:$0x3] =	wrdreg s10  }
0xb2: {  	[dreg:$0x4] =	wrdreg $0xC0  }
0xb3: {  	_ =	task [dreg:s12], $0x5FFFF  }
0xb4: {  	[dreg:$0x1] =	wrdreg $0xFFFFFFFF  }
0xb5: {  	[dreg:$0x0] =	wrdreg $0x60  }
0xb6: {  	[dreg:$0x2] =	wrdreg s15  }
0xb7: {  	[dreg:$0x3] =	wrdreg s24  }
0xb8: {  	[dreg:$0x4] =	wrdreg s16  }
0xb9: {  	[dreg:$0x5] =	wrdreg s17  }
0xba: {  	[dreg:$0x6] =	wrdreg s6  }
0xbb: {  	[dreg:$0x7] =	wrdreg s7  }
0xbc: {  	[dreg:$0x8] =	wrdreg s18  }
0xbd: {  	[dreg:$0x9] =	wrdreg $0x9  }
0xbe: {  	_ =	task.clear_ibuf [dreg:s12], $0xAFFFF;
	_ =	strace $0x90000046  }
0xbf: {  	s29 =	simm.s32 $0x9;
	_ =	strace $0x80000048  }
0xc0: {  	_ =	swait.ge [sflag:s29], $0x1  }
0xc1: {  	[sflag:s29] =	ssyncadd.s32 $0xFFFFFFFF  }
0xc2: {  	_ =	strace $0x90000048  }
0xc3: {  	_ =	sfence  }
0xc4: {  	s30 =	sld [smem:$0x0];
	_ =	sdelay $0x2  }
0xc5: {  	s31 =	sshll.u32 s1, $0xD;
	s1 =	sshrl.u32 s1, $0x2  }
0xc6: {  	s3 =	sand.u32 $0x4000, s31;
	s1 =	sadd.s32 s1, s30  }
0xc7: {  	s0 =	sor.u32 s3, s0;
	s1 =	sshll.u32 s1, $0x11  }
0xc8: {  	s0 =	sor.u32 s1, s0  }
0xc9: {  	s0 =	sadd.s32 $0x8F2B, s0  }
0xca: {  	[sflag:s0] =	ssyncadd.remote.s32 $0x1  }
0xcb: {  	_ =	sfence.sel $0xFFFF  }
0xcc: {  	[dreg:$0x0] =	wrdreg $0xFFFFFFFF;
	(pc) =	sbr.abs _section_cstart, $3  }
0xcd: {  	[dreg:$0x1] =	wrdreg $0xFFFFFFFF  }
0xce: {  	_ =	task.clear_ibuf [dreg:s12], $0x2FFFF;
	_ =	strace $0x9FFFFFFF  }
0xcf: {  	(tm) =	ssettm $0x7FFFFFFF  }
tec
execute0_lowered:
.L_overlay_start_1:
0x0: {  	(tag) =	ssettag $0x1  }
0x1: {  	s0 =	rddreg [dreg:$0x0]  }
0x2: {  	s3 =	rddreg [dreg:$0x1]  }
0x3: {  	s1 =	rddreg [dreg:$0x2]  }
0x4: {  	s2 =	rddreg [dreg:$0x3]  }
0x5: {  	s5 =	rddreg [dreg:$0x4]  }
0x6: {  	s6 =	rddreg [dreg:$0x5];
	s4 =	srdreg.scid  }
0x7: {  	s7 =	rddreg [dreg:$0x6];
	s8 =	stileid.u32  }
0x8: {  	s17 =	simm.s32 $0x1;
	s18 =	simm.s32 $0x4080;
	s19 =	simm.s32 $0x6080  }
0x9: {  	s20 =	simm.s32 $0x8080;
	s21 =	simm.s32 $0xA080;
	s22 =	simm.s32 $0xC080  }
0xa: {  	s23 =	simm.s32 $0x2;
	s28 =	simm.s32 $0x14080;
	s29 =	simm.s32 $0x16080  }
0xb: {  	s31 =	simm.s32 $0x4;
	s4 =	sand.u32 $0x1, s4;
	s9 =	sshll.u32 s8, $0x12  }
0xc: {  	s8 =	simm.s32 $0x0;
	s3 =	sadd.s32 $0x600, s3;
	s10 =	sshll.u32 s4, $0x11  }
0xd: {  	s4 =	ssub.s32 $0x2, s4;
	[smem:$0x7FF] =	sst s8;
	s9 =	sor.u32 s10, s9  }
0xe: {  	s24 =	sshrl.u32 s4, $0x1;
	_ =	strace $0x80000047;
	s11 =	sshrl.u32 s9, $0x3  }
0xf: {  	[dreg:$0x9] =	wrdreg s3;
	s4 =	ssub.s32 s4, s24;
	s25 =	sadd.s32 s0, s11  }
0x10: {  	s24 =	simm.s32 $0xE080;
	s30 =	smax.u32 s4, $0x1;
	[dreg:$0x8] =	wrdreg s25  }
0x11: {  	s4 =	simm.s32 $0x0;
	s26 =	sadd.s32 $0x400, s25;
	[dreg:$0xb] =	wrdreg s30  }
0x12: {  	s25 =	simm.s32 $0x10080;
	[dreg:$0xa] =	wrdreg s26;
	s26 =	simm.s32 $0x12080  }
.LBB2_1:
0x13: {  	[dreg:$0xc] =	wrdreg s4  }
0x14: {  	s3 =	rddreg [dreg:$0x9];
	s13 =	simm.s32 $0x5  }
0x15: {  	[tilespmem:s8], [sflag:$0x5] =	stream.linear.gather [hbm4b:s3+s8], $0x80, $0x38;
	[tilespmem:$0x18080] =	vst v63  }
0x16: {  	_ =	swait.ge [sflag:s13], $0x80  }
0x17: {  	[sflag:s13] =	ssyncset.done $0x0  }
0x18: {  	s15 =	simm.s32 $0x80;
	s14 =	rddreg [dreg:$0x8];
	[sflag:s13] =	ssyncadd.s32 $0xFFFFFF80  }
0x19: {  	[tilespmem:s15], [sflag:$0x1] =	stream.linear.gather [hbm4b:s14+s8], $0x2000, $0x38;
	[tilespmem:$0x18080] =	vst v63  }
0x1a: {  	s30 =	simm.s32 $0x2080;
	s4 =	simm.s32 $0x0;
	s16 =	rddreg [dreg:$0xa]  }
0x1b: {  	[tilespmem:s30], [sflag:$0x2] =	stream.linear.gather [hbm4b:s16+s8], $0x2000, $0x38;
	[tilespmem:$0x18080] =	vst v63  }
.LBB2_2:
0x1c: {  	_ =	swait.ge [sflag:s17], $0x2000  }
0x1d: {  	p0 =	seq.s32 s4, $0x0;
	[sflag:s17] =	ssyncset.done $0x0  }
0x1e: {  	s3 =	simm.s32 @!p0 $0x3;
	[sflag:s17] =	ssyncadd.s32 $0xFFFFE000  }
0x1f: {  	_ =	swait.ge @!p0 [sflag:s3], $0x2000  }
0x20: {  	[sflag:s3] =	ssyncset.done @!p0 $0x0  }
0x21: {  	[sflag:s3] =	ssyncadd.s32 @!p0 $0xFFFFE000  }
0x22: {  	_ =	swait.ge @!p0 [sflag:s3], $0x2000  }
0x23: {  	[sflag:s3] =	ssyncset.done @!p0 $0x0  }
0x24: {  	[sflag:s3] =	ssyncadd.s32 @!p0 $0xFFFFE000  }
0x25: {  	_ =	swait.ge @!p0 [sflag:s3], $0x2000  }
0x26: {  	[sflag:s3] =	ssyncset.done @!p0 $0x0  }
0x27: {  	[sflag:s3] =	ssyncadd.s32 @!p0 $0xFFFFE000  }
0x28: {  	_ =	swait.ge @!p0 [sflag:s3], $0x2000  }
0x29: {  	[sflag:s3] =	ssyncset.done @!p0 $0x0  }
0x2a: {  	[sflag:s3] =	ssyncadd.s32 @!p0 $0xFFFFE000  }
0x2b: {  	_ =	swait.ge @!p0 [sflag:s3], $0x2000  }
0x2c: {  	[sflag:s3] =	ssyncset.done @!p0 $0x0  }
0x2d: {  	s16 =	simm.s32 $0xC0;
	[sflag:s3] =	ssyncadd.s32 @!p0 $0xFFFFE000  }
0x2e: {  	v0 =	vld [tilespmem:s16+$0x30]  }
0x2f: {  	v1 =	vld [tilespmem:s16+$0xFFFFFFD0]  }
0x30: {  	v2 =	vld [tilespmem:s16+$0xFFFFFFE0]  }
0x31: {  	v3 =	vld [tilespmem:s16+$0xFFFFFFF0]  }
0x32: {  	v4 =	vld [tilespmem:s16+$0x0]  }
0x33: {  	v8 =	vld [tilespmem:s16+$0x10];
	v5 =	vadd.s32 $0xFFFFFFFF, v0  }
0x34: {  	v9 =	vld [tilespmem:s16+$0x20];
	v6 =	vadd.s32 $0xFFFFFFFF, v1  }
0x35: {  	v10 =	vld [tilespmem:s16+$0xFFFFFFC0];
	v7 =	vadd.s32 $0xFFFFFFFF, v2  }
0x36: {  	v11 =	vadd.s32 $0xFFFFFFFF, v3  }
0x37: {  	v12 =	vadd.s32 $0xFFFFFFFF, v4  }
0x38: {  	v13 =	vadd.s32 $0xFFFFFFFF, v8;
	v5 =	vld.idx.msk [tilespmem:v5+s8+$0x0], $0xffff  }
0x39: {  	v14 =	vadd.s32 $0xFFFFFFFF, v9;
	v6 =	vld.idx.msk [tilespmem:v6+s8+$0x0], $0xffff  }
0x3a: {  	v16 =	vadd.s32 $0xFFFFFFFF, v10;
	v7 =	vld.idx.msk [tilespmem:v7+s8+$0x0], $0xffff  }
0x3b: {  	v15 =	vadd.s32 $0x12, v0;
	v11 =	vld.idx.msk [tilespmem:v11+s8+$0x0], $0xffff  }
0x3c: {  	v17 =	vadd.s32 $0x12, v1;
	v12 =	vld.idx.msk [tilespmem:v12+s8+$0x0], $0xffff  }
0x3d: {  	s15 =	simm.s32 $0x40C0;
	v18 =	vadd.s32 $0x12, v2;
	v13 =	vld.idx.msk [tilespmem:v13+s8+$0x0], $0xffff  }
0x3e: {  	v19 =	vadd.s32 $0x12, v3;
	v14 =	vld.idx.msk [tilespmem:v14+s8+$0x0], $0xffff;
	[tilespmem:s15+$0x30] =	vst v5  }
0x3f: {  	v46 =	vadd.s32 $0x12, v8;
	v16 =	vld.idx.msk [tilespmem:v16+s8+$0x0], $0xffff;
	[tilespmem:s15+$0xFFFFFFD0] =	vst v6  }
0x40: {  	v47 =	vadd.s32 $0x12, v10;
	[tilespmem:s15+$0xFFFFFFE0] =	vst v7;
	v6 =	vld.idx.msk [tilespmem:v15+s8+$0x0], $0xffff  }
0x41: {  	v5 =	vadd.s32 $0x12, v4;
	[tilespmem:s15+$0xFFFFFFF0] =	vst v11;
	v7 =	vld.idx.msk [tilespmem:v17+s8+$0x0], $0xffff  }
0x42: {  	v48 =	vadd.s32 $0x12, v9;
	[tilespmem:s15+$0x0] =	vst v12;
	v18 =	vld.idx.msk [tilespmem:v18+s8+$0x0], $0xffff  }
0x43: {  	v11 =	vadd.s32 $0x25, v0;
	[tilespmem:s15+$0x10] =	vst v13;
	v19 =	vld.idx.msk [tilespmem:v19+s8+$0x0], $0xffff  }
0x44: {  	v49 =	vadd.s32 $0x25, v1;
	[tilespmem:s15+$0xFFFFFFC0] =	vst v16;
	v15 =	vld.idx.msk [tilespmem:v46+s8+$0x0], $0xffff  }
0x45: {  	s11 =	simm.s32 $0x60C0;
	v50 =	vadd.s32 $0x25, v2;
	[tilespmem:s15+$0x20] =	vst v14;
	v17 =	vld.idx.msk [tilespmem:v47+s8+$0x0], $0xffff  }
0x46: {  	v53 =	vadd.s32 $0x25, v10;
	v5 =	vld.idx.msk [tilespmem:v5+s8+$0x0], $0xffff;
	[tilespmem:s11+$0x30] =	vst v6  }
0x47: {  	v6 =	vadd.s32 $0x25, v3;
	[tilespmem:s11+$0xFFFFFFD0] =	vst v7;
	v7 =	vld.idx.msk [tilespmem:v48+s8+$0x0], $0xffff  }
0x48: {  	v51 =	vadd.s32 $0x25, v4;
	[tilespmem:s11+$0xFFFFFFE0] =	vst v18;
	v11 =	vld.idx.msk [tilespmem:v11+s8+$0x0], $0xffff  }
0x49: {  	v54 =	vadd.s32 $0x25, v8;
	[tilespmem:s11+$0xFFFFFFF0] =	vst v19;
	v13 =	vld.idx.msk [tilespmem:v49+s8+$0x0], $0xffff  }
0x4a: {  	v52 =	vadd.s32 $0x38, v0;
	[tilespmem:s11+$0xFFFFFFC0] =	vst v17;
	v14 =	vld.idx.msk [tilespmem:v50+s8+$0x0], $0xffff  }
0x4b: {  	v55 =	vadd.s32 $0x38, v1;
	[tilespmem:s11+$0x10] =	vst v15;
	v18 =	vld.idx.msk [tilespmem:v53+s8+$0x0], $0xffff  }
0x4c: {  	v57 =	vadd.s32 $0x38, v10;
	[tilespmem:s11+$0x0] =	vst v5;
	v6 =	vld.idx.msk [tilespmem:v6+s8+$0x0], $0xffff  }
0x4d: {  	s12 =	simm.s32 $0x80C0;
	v5 =	vadd.s32 $0x25, v9;
	v16 =	vld.idx.msk [tilespmem:v51+s8+$0x0], $0xffff;
	[tilespmem:s11+$0x20] =	vst v7  }
0x4e: {  	v7 =	vld.idx.msk [tilespmem:v54+s8+$0x0], $0xffff;
	[tilespmem:s12+$0x30] =	vst v11;
	v11 =	vadd.s32 $0x38, v2  }
0x4f: {  	v56 =	vadd.s32 $0x38, v3;
	[tilespmem:s12+$0xFFFFFFD0] =	vst v13;
	v12 =	vld.idx.msk [tilespmem:v52+s8+$0x0], $0xffff  }
0x50: {  	v58 =	vadd.s32 $0x38, v4;
	[tilespmem:s12+$0xFFFFFFC0] =	vst v18;
	v15 =	vld.idx.msk [tilespmem:v55+s8+$0x0], $0xffff  }
0x51: {  	v0 =	vadd.s32 $0x4B, v0;
	[tilespmem:s12+$0xFFFFFFE0] =	vst v14;
	v60 =	vld.idx.msk [tilespmem:v57+s8+$0x0], $0xffff  }
0x52: {  	v1 =	vadd.s32 $0x4B, v1;
	v5 =	vld.idx.msk [tilespmem:v5+s8+$0x0], $0xffff;
	[tilespmem:s12+$0xFFFFFFF0] =	vst v6  }
0x53: {  	v6 =	vadd.s32 $0x38, v8;
	[tilespmem:s12+$0x0] =	vst v16;
	v11 =	vld.idx.msk [tilespmem:v11+s8+$0x0], $0xffff  }
0x54: {  	s13 =	simm.s32 $0xA0C0;
	v59 =	vadd.s32 $0x38, v9;
	[tilespmem:s12+$0x10] =	vst v7;
	v17 =	vld.idx.msk [tilespmem:v56+s8+$0x0], $0xffff  }
0x55: {  	v2 =	vadd.s32 $0x4B, v2;
	v61 =	vld.idx.msk [tilespmem:v58+s8+$0x0], $0xffff;
	[tilespmem:s13+$0x30] =	vst v12  }
0x56: {  	v7 =	vadd.s32 $0x4B, v3;
	[tilespmem:s13+$0xFFFFFFD0] =	vst v15;
	v0 =	vld.idx.msk [tilespmem:v0+s8+$0x0], $0xffff  }
0x57: {  	v10 =	vadd.s32 $0x4B, v10;
	[tilespmem:s13+$0xFFFFFFC0] =	vst v60;
	v3 =	vld.idx.msk [tilespmem:v1+s8+$0x0], $0xffff  }
0x58: {  	v63 =	vadd.s32 $0x4B, v4;
	[tilespmem:s12+$0x20] =	vst v5;
	v62 =	vld.idx.msk [tilespmem:v6+s8+$0x0], $0xffff  }
0x59: {  	v4 =	vld.idx.msk [tilespmem:v59+s8+$0x0], $0xffff;
	[tilespmem:s13+$0xFFFFFFE0] =	vst v11  }
0x5a: {  	[tilespmem:s13+$0xFFFFFFF0] =	vst v17;
	v5 =	vld.idx.msk [tilespmem:v2+s8+$0x0], $0xffff  }
0x5b: {  	s10 =	simm.s32 $0xC0C0;
	[tilespmem:s13+$0x0] =	vst v61;
	v6 =	vld.idx.msk [tilespmem:v7+s8+$0x0], $0xffff  }
0x5c: {  	s30 =	sshll.u32 s4, $0xE;
	v7 =	vld.idx.msk [tilespmem:v10+s8+$0x0], $0xffff;
	[tilespmem:s10+$0x30] =	vst v0  }
0x5d: {  	s14 =	simm.s32 $0x0;
	s3 =	simm.s32 $0x140;
	s16 =	sor.u32 s9, s30;
	v1 =	vadd.s32 $0x4B, v8;
	v8 =	vld.idx.msk [tilespmem:v63+s8+$0x0], $0xffff;
	v0 =	vadd.s32 $0x4B, v9;
	[tilespmem:s13+$0x10] =	vst v62  }
.LBB2_3:
0x5e: {  	v2 =	vld [tilespmem:s3+$0x30];
	s14 =	sadd.s32 $0x80, s14;
	[tilespmem:s13+$0x20] =	vst v4  }
0x5f: {  	v4 =	vld [tilespmem:s3+$0xFFFFFFD0];
	p1 =	slt.u32 s14, $0x1F80;
	[tilespmem:s10+$0xFFFFFFD0] =	vst v3  }
0x60: {  	v3 =	vld [tilespmem:s3+$0xFFFFFFE0];
	[tilespmem:s10+$0xFFFFFFE0] =	vst v5  }
0x61: {  	v5 =	vld [tilespmem:s3+$0xFFFFFFF0];
	[tilespmem:s10+$0xFFFFFFF0] =	vst v6  }
0x62: {  	v6 =	vld [tilespmem:s3+$0x0];
	[tilespmem:s10+$0xFFFFFFC0] =	vst v7  }
0x63: {  	v7 =	vld [tilespmem:s3+$0x10];
	v9 =	vadd.s32 $0xFFFFFFFF, v2;
	[tilespmem:s10+$0x0] =	vst v8  }
0x64: {  	v8 =	vadd.s32 $0xFFFFFFFF, v4;
	v10 =	vadd.s32 $0x12, v4;
	v11 =	vadd.s32 $0x25, v4;
	v12 =	vld [tilespmem:s3+$0x20]  }
0x65: {  	v13 =	vld [tilespmem:s3+$0xFFFFFFC0];
	v14 =	vadd.s32 $0xFFFFFFFF, v3;
	v15 =	vadd.s32 $0x12, v3;
	v16 =	vadd.s32 $0x25, v3  }
0x66: {  	v17 =	vadd.s32 $0xFFFFFFFF, v5;
	v18 =	vadd.s32 $0x12, v5;
	v19 =	vadd.s32 $0x25, v5;
	v1 =	vld.idx.msk [tilespmem:v1+s8+$0x0], $0xffff  }
0x67: {  	v20 =	vadd.s32 $0xFFFFFFFF, v6;
	v21 =	vadd.s32 $0x12, v6;
	v22 =	vadd.s32 $0x25, v6;
	v0 =	vld.idx.msk [tilespmem:v0+s8+$0x0], $0xffff  }
0x68: {  	v23 =	vadd.s32 $0xFFFFFFFF, v7;
	v24 =	vadd.s32 $0x12, v7;
	v25 =	vadd.s32 $0x25, v7;
	v9 =	vld.idx.msk [tilespmem:v9+s8+$0x0], $0xffff  }
0x69: {  	v8 =	vld.idx.msk [tilespmem:v8+s8+$0x0], $0xffff;
	v26 =	vadd.s32 $0xFFFFFFFF, v12;
	v27 =	vadd.s32 $0x12, v12;
	v28 =	vadd.s32 $0x25, v12  }
0x6a: {  	v31 =	vadd.s32 $0x12, v2;
	v29 =	vadd.s32 $0xFFFFFFFF, v13;
	v30 =	vadd.s32 $0x12, v13;
	v14 =	vld.idx.msk [tilespmem:v14+s8+$0x0], $0xffff  }
0x6b: {  	v34 =	vadd.s32 $0x38, v4;
	v32 =	vadd.s32 $0x25, v13;
	v33 =	vadd.s32 $0x38, v13;
	v17 =	vld.idx.msk [tilespmem:v17+s8+$0x0], $0xffff  }
0x6c: {  	v35 =	vadd.s32 $0x38, v3;
	v36 =	vadd.s32 $0x38, v5;
	v37 =	vadd.s32 $0x38, v6;
	v20 =	vld.idx.msk [tilespmem:v20+s8+$0x0], $0xffff;
	[tilespmem:s10+$0x10] =	vst v1  }
0x6d: {  	s15 =	sadd.s32 $0x80, s15;
	v38 =	vadd.s32 $0x38, v7;
	v39 =	vadd.s32 $0x38, v12;
	v13 =	vadd.s32 $0x4B, v13;
	v23 =	vld.idx.msk [tilespmem:v23+s8+$0x0], $0xffff;
	[tilespmem:s10+$0x20] =	vst v0  }
0x6e: {  	v40 =	vadd.s32 $0x4B, v4;
	v41 =	vadd.s32 $0x4B, v3;
	v42 =	vadd.s32 $0x4B, v5;
	v3 =	vld.idx.msk [tilespmem:v26+s8+$0x0], $0xffff;
	[tilespmem:s15+$0x30] =	vst v9  }
0x6f: {  	v1 =	vadd.s32 $0x4B, v7;
	v0 =	vadd.s32 $0x4B, v12;
	[tilespmem:s15+$0xFFFFFFD0] =	vst v8;
	v8 =	vadd.s32 $0x4B, v6;
	v4 =	vld.idx.msk [tilespmem:v31+s8+$0x0], $0xffff  }
0x70: {  	v5 =	vld.idx.msk [tilespmem:v29+s8+$0x0], $0xffff;
	[tilespmem:s15+$0xFFFFFFE0] =	vst v14  }
0x71: {  	v7 =	vadd.s32 $0x25, v2;
	v6 =	vld.idx.msk [tilespmem:v10+s8+$0x0], $0xffff;
	[tilespmem:s15+$0xFFFFFFF0] =	vst v17  }
0x72: {  	v9 =	vld.idx.msk [tilespmem:v15+s8+$0x0], $0xffff;
	[tilespmem:s15+$0x0] =	vst v20  }
0x73: {  	v10 =	vld.idx.msk [tilespmem:v18+s8+$0x0], $0xffff;
	[tilespmem:s15+$0x10] =	vst v23  }
0x74: {  	s11 =	sadd.s32 $0x80, s11;
	v12 =	vld.idx.msk [tilespmem:v21+s8+$0x0], $0xffff;
	[tilespmem:s15+$0x20] =	vst v3  }
0x75: {  	v3 =	vld.idx.msk [tilespmem:v24+s8+$0x0], $0xffff;
	[tilespmem:s11+$0x30] =	vst v4  }
0x76: {  	[tilespmem:s15+$0xFFFFFFC0] =	vst v5;
	v4 =	vld.idx.msk [tilespmem:v7+s8+$0x0], $0xffff  }
0x77: {  	v5 =	vld.idx.msk [tilespmem:v30+s8+$0x0], $0xffff;
	[tilespmem:s11+$0xFFFFFFD0] =	vst v6  }
0x78: {  	v7 =	vadd.s32 $0x38, v2;
	[tilespmem:s11+$0xFFFFFFE0] =	vst v9;
	v6 =	vld.idx.msk [tilespmem:v27+s8+$0x0], $0xffff  }
0x79: {  	v9 =	vld.idx.msk [tilespmem:v11+s8+$0x0], $0xffff;
	[tilespmem:s11+$0xFFFFFFF0] =	vst v10  }
0x7a: {  	v10 =	vld.idx.msk [tilespmem:v16+s8+$0x0], $0xffff;
	[tilespmem:s11+$0x0] =	vst v12  }
0x7b: {  	s12 =	sadd.s32 $0x80, s12;
	v11 =	vld.idx.msk [tilespmem:v19+s8+$0x0], $0xffff;
	[tilespmem:s11+$0x10] =	vst v3  }
0x7c: {  	v3 =	vld.idx.msk [tilespmem:v22+s8+$0x0], $0xffff;
	[tilespmem:s12+$0x30] =	vst v4  }
0x7d: {  	[tilespmem:s11+$0xFFFFFFC0] =	vst v5;
	v4 =	vld.idx.msk [tilespmem:v7+s8+$0x0], $0xffff  }
0x7e: {  	v5 =	vld.idx.msk [tilespmem:v32+s8+$0x0], $0xffff;
	[tilespmem:s11+$0x20] =	vst v6  }
0x7f: {  	v2 =	vadd.s32 $0x4B, v2;
	[tilespmem:s12+$0xFFFFFFD0] =	vst v9;
	v6 =	vld.idx.msk [tilespmem:v25+s8+$0x0], $0xffff  }
0x80: {  	[tilespmem:s12+$0xFFFFFFE0] =	vst v10;
	v7 =	vld.idx.msk [tilespmem:v28+s8+$0x0], $0xffff  }
0x81: {  	v9 =	vld.idx.msk [tilespmem:v34+s8+$0x0], $0xffff;
	[tilespmem:s12+$0xFFFFFFF0] =	vst v11  }
0x82: {  	s13 =	sadd.s32 $0x80, s13;
	v10 =	vld.idx.msk [tilespmem:v35+s8+$0x0], $0xffff;
	[tilespmem:s12+$0x0] =	vst v3  }
0x83: {  	v11 =	vld.idx.msk [tilespmem:v36+s8+$0x0], $0xffff;
	[tilespmem:s13+$0x30] =	vst v4  }
0x84: {  	[tilespmem:s12+$0xFFFFFFC0] =	vst v5;
	v2 =	vld.idx.msk [tilespmem:v2+s8+$0x0], $0xffff  }
0x85: {  	v12 =	vld.idx.msk [tilespmem:v33+s8+$0x0], $0xffff;
	[tilespmem:s12+$0x10] =	vst v6  }
0x86: {  	v14 =	vld.idx.msk [tilespmem:v37+s8+$0x0], $0xffff;
	[tilespmem:s12+$0x20] =	vst v7  }
0x87: {  	[tilespmem:s13+$0xFFFFFFD0] =	vst v9;
	v9 =	vld.idx.msk [tilespmem:v38+s8+$0x0], $0xffff  }
0x88: {  	[tilespmem:s13+$0xFFFFFFE0] =	vst v10;
	v4 =	vld.idx.msk [tilespmem:v39+s8+$0x0], $0xffff  }
.Ltmp0:
0x89: {  	s10 =	sadd.s32 $0x80, s10;
	v3 =	vld.idx.msk [tilespmem:v40+s8+$0x0], $0xffff;
	[tilespmem:s13+$0xFFFFFFF0] =	vst v11;
	(pc) =	sbr.rel @p1 .LBB2_3-.Ltmp0, $4  }
0x8a: {  	v5 =	vld.idx.msk [tilespmem:v41+s8+$0x0], $0xffff;
	[tilespmem:s10+$0x30] =	vst v2  }
0x8b: {  	[tilespmem:s13+$0xFFFFFFC0] =	vst v12;
	v6 =	vld.idx.msk [tilespmem:v42+s8+$0x0], $0xffff  }
0x8c: {  	v7 =	vld.idx.msk [tilespmem:v13+s8+$0x0], $0xffff;
	[tilespmem:s13+$0x0] =	vst v14  }
0x8d: {  	s3 =	sadd.s32 $0x80, s3;
	v8 =	vld.idx.msk [tilespmem:v8+s8+$0x0], $0xffff;
	[tilespmem:s13+$0x10] =	vst v9  }
0x8e: {  	_ =	sdelay $0x2  }
0x8f: {  	[tilespmem:s13+$0x20] =	vst v4  }
0x90: {  	[tilespmem:s10+$0xFFFFFFD0] =	vst v3;
	v1 =	vld.idx.msk [tilespmem:v1+s8+$0x0], $0xffff  }
0x91: {  	[tilespmem:s10+$0xFFFFFFE0] =	vst v5;
	v0 =	vld.idx.msk [tilespmem:v0+s8+$0x0], $0xffff  }
0x92: {  	[tilespmem:s10+$0xFFFFFFF0] =	vst v6  }
0x93: {  	p1 =	seq.s32 s4, $0x7;
	[tilespmem:s10+$0xFFFFFFC0] =	vst v7  }
0x94: {  	s3 =	sshrl.u32 @!p1 s16, $0x3;
	[tilespmem:s10+$0x0] =	vst v8  }
0x95: {  	s11 =	simm.s32 @!p1 $0x80;
	s15 =	sadd.s32 @!p1 s0, s3;
	[tilespmem:s10+$0x10] =	vst v1  }
0x96: {  	s16 =	sshrl.u32 s16, $0x3;
	s3 =	sadd.s32 @!p1 $0x800, s15;
	[tilespmem:s10+$0x20] =	vst v0;
	s10 =	simm.s32 @!p1 $0x0  }
0x97: {  	[tilespmem:s11], [sflag:$0x1] =	stream.linear.gather @!p1 [hbm4b:s3+s10], $0x2000, $0x38;
	[tilespmem:$0x18080] =	vst v63  }
0x98: {  	s14 =	sadd.s32 s1, s16  }
0x99: {  	[hbm4b:s14+s8] =	stream.linear.scatter [tilespmem:s18], [sflag:$0x3], $0x2000, $0x38;
	[tilespmem:$0x18080] =	vst v63  }
0x9a: {  	s10 =	sadd.s32 s2, s16  }
0x9b: {  	[hbm4b:s10+s8] =	stream.linear.scatter [tilespmem:s19], [sflag:$0x3], $0x2000, $0x38;
	[tilespmem:$0x18080] =	vst v63  }
0x9c: {  	s11 =	sadd.s32 s5, s16  }
0x9d: {  	[hbm4b:s11+s8] =	stream.linear.scatter [tilespmem:s20], [sflag:$0x3], $0x2000, $0x38;
	[tilespmem:$0x18080] =	vst v63  }
0x9e: {  	s12 =	sadd.s32 s6, s16  }
0x9f: {  	[hbm4b:s12+s8] =	stream.linear.scatter [tilespmem:s21], [sflag:$0x3], $0x2000, $0x38;
	[tilespmem:$0x18080] =	vst v63  }
0xa0: {  	s13 =	sadd.s32 s7, s16  }
0xa1: {  	[hbm4b:s13+s8] =	stream.linear.scatter [tilespmem:s22], [sflag:$0x3], $0x2000, $0x38;
	[tilespmem:$0x18080] =	vst v63  }
0xa2: {  	_ =	swait.ge [sflag:s23], $0x2000  }
0xa3: {  	[sflag:s23] =	ssyncset.done $0x0  }
0xa4: {  	s3 =	simm.s32 @!p0 $0x4;
	[sflag:s23] =	ssyncadd.s32 $0xFFFFE000  }
0xa5: {  	_ =	swait.ge @!p0 [sflag:s3], $0x2000  }
0xa6: {  	[sflag:s3] =	ssyncset.done @!p0 $0x0  }
0xa7: {  	[sflag:s3] =	ssyncadd.s32 @!p0 $0xFFFFE000  }
0xa8: {  	_ =	swait.ge @!p0 [sflag:s3], $0x2000  }
0xa9: {  	[sflag:s3] =	ssyncset.done @!p0 $0x0  }
0xaa: {  	[sflag:s3] =	ssyncadd.s32 @!p0 $0xFFFFE000  }
0xab: {  	_ =	swait.ge @!p0 [sflag:s3], $0x2000  }
0xac: {  	[sflag:s3] =	ssyncset.done @!p0 $0x0  }
0xad: {  	[sflag:s3] =	ssyncadd.s32 @!p0 $0xFFFFE000  }
0xae: {  	_ =	swait.ge @!p0 [sflag:s3], $0x2000  }
0xaf: {  	[sflag:s3] =	ssyncset.done @!p0 $0x0  }
0xb0: {  	[sflag:s3] =	ssyncadd.s32 @!p0 $0xFFFFE000  }
0xb1: {  	_ =	swait.ge @!p0 [sflag:s3], $0x2000  }
0xb2: {  	[sflag:s3] =	ssyncset.done @!p0 $0x0  }
0xb3: {  	s14 =	simm.s32 $0x20C0;
	[sflag:s3] =	ssyncadd.s32 @!p0 $0xFFFFE000  }
0xb4: {  	v0 =	vld [tilespmem:s14+$0x30]  }
0xb5: {  	v1 =	vld [tilespmem:s14+$0xFFFFFFD0]  }
0xb6: {  	v2 =	vld [tilespmem:s14+$0xFFFFFFE0]  }
0xb7: {  	v3 =	vld [tilespmem:s14+$0xFFFFFFF0]  }
0xb8: {  	v4 =	vld [tilespmem:s14+$0x0]  }
0xb9: {  	v8 =	vld [tilespmem:s14+$0x10];
	v5 =	vadd.s32 $0xFFFFFFFF, v0  }
0xba: {  	v9 =	vld [tilespmem:s14+$0x20];
	v6 =	vadd.s32 $0xFFFFFFFF, v1  }
0xbb: {  	v10 =	vld [tilespmem:s14+$0xFFFFFFC0];
	v7 =	vadd.s32 $0xFFFFFFFF, v2  }
0xbc: {  	v11 =	vadd.s32 $0xFFFFFFFF, v3  }
0xbd: {  	v12 =	vadd.s32 $0xFFFFFFFF, v4  }
0xbe: {  	v13 =	vadd.s32 $0xFFFFFFFF, v8;
	v5 =	vld.idx.msk [tilespmem:v5+s8+$0x0], $0xffff  }
0xbf: {  	v14 =	vadd.s32 $0xFFFFFFFF, v9;
	v6 =	vld.idx.msk [tilespmem:v6+s8+$0x0], $0xffff  }
0xc0: {  	v16 =	vadd.s32 $0xFFFFFFFF, v10;
	v7 =	vld.idx.msk [tilespmem:v7+s8+$0x0], $0xffff  }
0xc1: {  	v15 =	vadd.s32 $0x12, v0;
	v11 =	vld.idx.msk [tilespmem:v11+s8+$0x0], $0xffff  }
0xc2: {  	v17 =	vadd.s32 $0x12, v1;
	v12 =	vld.idx.msk [tilespmem:v12+s8+$0x0], $0xffff  }
0xc3: {  	s11 =	simm.s32 $0xE0C0;
	v18 =	vadd.s32 $0x12, v2;
	v13 =	vld.idx.msk [tilespmem:v13+s8+$0x0], $0xffff  }
0xc4: {  	v19 =	vadd.s32 $0x12, v3;
	v14 =	vld.idx.msk [tilespmem:v14+s8+$0x0], $0xffff;
	[tilespmem:s11+$0x30] =	vst v5  }
0xc5: {  	v46 =	vadd.s32 $0x12, v8;
	v16 =	vld.idx.msk [tilespmem:v16+s8+$0x0], $0xffff;
	[tilespmem:s11+$0xFFFFFFD0] =	vst v6  }
0xc6: {  	v47 =	vadd.s32 $0x12, v10;
	[tilespmem:s11+$0xFFFFFFE0] =	vst v7;
	v6 =	vld.idx.msk [tilespmem:v15+s8+$0x0], $0xffff  }
0xc7: {  	v5 =	vadd.s32 $0x12, v4;
	[tilespmem:s11+$0xFFFFFFF0] =	vst v11;
	v7 =	vld.idx.msk [tilespmem:v17+s8+$0x0], $0xffff  }
0xc8: {  	v48 =	vadd.s32 $0x12, v9;
	[tilespmem:s11+$0x0] =	vst v12;
	v18 =	vld.idx.msk [tilespmem:v18+s8+$0x0], $0xffff  }
0xc9: {  	v11 =	vadd.s32 $0x25, v0;
	[tilespmem:s11+$0x10] =	vst v13;
	v19 =	vld.idx.msk [tilespmem:v19+s8+$0x0], $0xffff  }
0xca: {  	v49 =	vadd.s32 $0x25, v1;
	[tilespmem:s11+$0xFFFFFFC0] =	vst v16;
	v15 =	vld.idx.msk [tilespmem:v46+s8+$0x0], $0xffff  }
0xcb: {  	s12 =	simm.s32 $0x100C0;
	v50 =	vadd.s32 $0x25, v2;
	[tilespmem:s11+$0x20] =	vst v14;
	v17 =	vld.idx.msk [tilespmem:v47+s8+$0x0], $0xffff  }
0xcc: {  	v53 =	vadd.s32 $0x25, v10;
	v5 =	vld.idx.msk [tilespmem:v5+s8+$0x0], $0xffff;
	[tilespmem:s12+$0x30] =	vst v6  }
0xcd: {  	v6 =	vadd.s32 $0x25, v3;
	[tilespmem:s12+$0xFFFFFFD0] =	vst v7;
	v7 =	vld.idx.msk [tilespmem:v48+s8+$0x0], $0xffff  }
0xce: {  	v51 =	vadd.s32 $0x25, v4;
	[tilespmem:s12+$0xFFFFFFE0] =	vst v18;
	v11 =	vld.idx.msk [tilespmem:v11+s8+$0x0], $0xffff  }
0xcf: {  	v54 =	vadd.s32 $0x25, v8;
	[tilespmem:s12+$0xFFFFFFF0] =	vst v19;
	v13 =	vld.idx.msk [tilespmem:v49+s8+$0x0], $0xffff  }
0xd0: {  	v52 =	vadd.s32 $0x38, v0;
	[tilespmem:s12+$0xFFFFFFC0] =	vst v17;
	v14 =	vld.idx.msk [tilespmem:v50+s8+$0x0], $0xffff  }
0xd1: {  	v55 =	vadd.s32 $0x38, v1;
	[tilespmem:s12+$0x10] =	vst v15;
	v18 =	vld.idx.msk [tilespmem:v53+s8+$0x0], $0xffff  }
0xd2: {  	v57 =	vadd.s32 $0x38, v10;
	[tilespmem:s12+$0x0] =	vst v5;
	v6 =	vld.idx.msk [tilespmem:v6+s8+$0x0], $0xffff  }
0xd3: {  	s13 =	simm.s32 $0x120C0;
	v5 =	vadd.s32 $0x25, v9;
	v16 =	vld.idx.msk [tilespmem:v51+s8+$0x0], $0xffff;
	[tilespmem:s12+$0x20] =	vst v7  }
0xd4: {  	v7 =	vld.idx.msk [tilespmem:v54+s8+$0x0], $0xffff;
	[tilespmem:s13+$0x30] =	vst v11;
	v11 =	vadd.s32 $0x38, v2  }
0xd5: {  	v56 =	vadd.s32 $0x38, v3;
	[tilespmem:s13+$0xFFFFFFD0] =	vst v13;
	v12 =	vld.idx.msk [tilespmem:v52+s8+$0x0], $0xffff  }
0xd6: {  	v58 =	vadd.s32 $0x38, v4;
	[tilespmem:s13+$0xFFFFFFC0] =	vst v18;
	v15 =	vld.idx.msk [tilespmem:v55+s8+$0x0], $0xffff  }
0xd7: {  	v0 =	vadd.s32 $0x4B, v0;
	[tilespmem:s13+$0xFFFFFFE0] =	vst v14;
	v60 =	vld.idx.msk [tilespmem:v57+s8+$0x0], $0xffff  }
0xd8: {  	v1 =	vadd.s32 $0x4B, v1;
	v5 =	vld.idx.msk [tilespmem:v5+s8+$0x0], $0xffff;
	[tilespmem:s13+$0xFFFFFFF0] =	vst v6  }
0xd9: {  	v6 =	vadd.s32 $0x38, v8;
	[tilespmem:s13+$0x0] =	vst v16;
	v11 =	vld.idx.msk [tilespmem:v11+s8+$0x0], $0xffff  }
0xda: {  	s10 =	simm.s32 $0x140C0;
	v59 =	vadd.s32 $0x38, v9;
	[tilespmem:s13+$0x10] =	vst v7;
	v17 =	vld.idx.msk [tilespmem:v56+s8+$0x0], $0xffff  }
0xdb: {  	v10 =	vadd.s32 $0x4B, v10;
	v61 =	vld.idx.msk [tilespmem:v58+s8+$0x0], $0xffff;
	[tilespmem:s10+$0x30] =	vst v12  }
0xdc: {  	v2 =	vadd.s32 $0x4B, v2;
	[tilespmem:s10+$0xFFFFFFD0] =	vst v15;
	v0 =	vld.idx.msk [tilespmem:v0+s8+$0x0], $0xffff  }
0xdd: {  	v7 =	vadd.s32 $0x4B, v3;
	[tilespmem:s10+$0xFFFFFFC0] =	vst v60;
	v3 =	vld.idx.msk [tilespmem:v1+s8+$0x0], $0xffff  }
0xde: {  	v63 =	vadd.s32 $0x4B, v4;
	[tilespmem:s13+$0x20] =	vst v5;
	v62 =	vld.idx.msk [tilespmem:v6+s8+$0x0], $0xffff  }
0xdf: {  	v4 =	vld.idx.msk [tilespmem:v59+s8+$0x0], $0xffff;
	[tilespmem:s10+$0xFFFFFFE0] =	vst v11  }
0xe0: {  	v6 =	vld.idx.msk [tilespmem:v10+s8+$0x0], $0xffff;
	[tilespmem:s10+$0xFFFFFFF0] =	vst v17  }
0xe1: {  	s14 =	simm.s32 $0x160C0;
	[tilespmem:s10+$0x0] =	vst v61;
	v5 =	vld.idx.msk [tilespmem:v2+s8+$0x0], $0xffff  }
0xe2: {  	v7 =	vld.idx.msk [tilespmem:v7+s8+$0x0], $0xffff;
	[tilespmem:s14+$0x30] =	vst v0  }
0xe3: {  	s30 =	simm.s32 $0x2140;
	s3 =	simm.s32 $0x0;
	v1 =	vadd.s32 $0x4B, v8;
	v8 =	vld.idx.msk [tilespmem:v63+s8+$0x0], $0xffff;
	v0 =	vadd.s32 $0x4B, v9;
	[tilespmem:s10+$0x10] =	vst v62  }
.LBB2_5:
0xe4: {  	v2 =	vld [tilespmem:s30+$0x30];
	s3 =	sadd.s32 $0x80, s3;
	[tilespmem:s10+$0x20] =	vst v4  }
0xe5: {  	v4 =	vld [tilespmem:s30+$0xFFFFFFD0];
	p0 =	slt.u32 s3, $0x1F80;
	[tilespmem:s14+$0xFFFFFFD0] =	vst v3  }
0xe6: {  	v3 =	vld [tilespmem:s30+$0xFFFFFFE0];
	[tilespmem:s14+$0xFFFFFFE0] =	vst v5  }
0xe7: {  	v5 =	vld [tilespmem:s30+$0xFFFFFFF0];
	[tilespmem:s14+$0xFFFFFFF0] =	vst v7  }
0xe8: {  	v7 =	vld [tilespmem:s30+$0x0];
	[tilespmem:s14+$0xFFFFFFC0] =	vst v6  }
0xe9: {  	v6 =	vld [tilespmem:s30+$0x10];
	v9 =	vadd.s32 $0xFFFFFFFF, v2;
	[tilespmem:s14+$0x0] =	vst v8  }
0xea: {  	v8 =	vadd.s32 $0xFFFFFFFF, v4;
	v10 =	vadd.s32 $0x12, v4;
	v11 =	vadd.s32 $0x25, v4;
	v12 =	vld [tilespmem:s30+$0x20]  }
0xeb: {  	v13 =	vld [tilespmem:s30+$0xFFFFFFC0];
	v14 =	vadd.s32 $0xFFFFFFFF, v3;
	v15 =	vadd.s32 $0x12, v3;
	v16 =	vadd.s32 $0x25, v3  }
0xec: {  	v17 =	vadd.s32 $0xFFFFFFFF, v5;
	v18 =	vadd.s32 $0x12, v5;
	v19 =	vadd.s32 $0x25, v5;
	v1 =	vld.idx.msk [tilespmem:v1+s8+$0x0], $0xffff  }
0xed: {  	v20 =	vadd.s32 $0xFFFFFFFF, v7;
	v21 =	vadd.s32 $0x12, v7;
	v22 =	vadd.s32 $0x25, v7;
	v0 =	vld.idx.msk [tilespmem:v0+s8+$0x0], $0xffff  }
0xee: {  	v23 =	vadd.s32 $0xFFFFFFFF, v6;
	v24 =	vadd.s32 $0x12, v6;
	v25 =	vadd.s32 $0x25, v6;
	v9 =	vld.idx.msk [tilespmem:v9+s8+$0x0], $0xffff  }
0xef: {  	v8 =	vld.idx.msk [tilespmem:v8+s8+$0x0], $0xffff;
	v26 =	vadd.s32 $0xFFFFFFFF, v12;
	v27 =	vadd.s32 $0x12, v12;
	v28 =	vadd.s32 $0x25, v12  }
0xf0: {  	v31 =	vadd.s32 $0x12, v2;
	v29 =	vadd.s32 $0xFFFFFFFF, v13;
	v30 =	vadd.s32 $0x12, v13;
	v14 =	vld.idx.msk [tilespmem:v14+s8+$0x0], $0xffff  }
0xf1: {  	v34 =	vadd.s32 $0x38, v4;
	v32 =	vadd.s32 $0x25, v13;
	v33 =	vadd.s32 $0x38, v13;
	v17 =	vld.idx.msk [tilespmem:v17+s8+$0x0], $0xffff  }
0xf2: {  	v35 =	vadd.s32 $0x38, v3;
	v36 =	vadd.s32 $0x38, v5;
	v37 =	vadd.s32 $0x38, v7;
	v20 =	vld.idx.msk [tilespmem:v20+s8+$0x0], $0xffff;
	[tilespmem:s14+$0x10] =	vst v1  }
0xf3: {  	s11 =	sadd.s32 $0x80, s11;
	v38 =	vadd.s32 $0x38, v6;
	v39 =	vadd.s32 $0x38, v12;
	v13 =	vadd.s32 $0x4B, v13;
	v23 =	vld.idx.msk [tilespmem:v23+s8+$0x0], $0xffff;
	[tilespmem:s14+$0x20] =	vst v0  }
0xf4: {  	v40 =	vadd.s32 $0x4B, v4;
	v41 =	vadd.s32 $0x4B, v3;
	v42 =	vadd.s32 $0x4B, v5;
	v3 =	vld.idx.msk [tilespmem:v26+s8+$0x0], $0xffff;
	[tilespmem:s11+$0x30] =	vst v9  }
0xf5: {  	v1 =	vadd.s32 $0x4B, v6;
	v0 =	vadd.s32 $0x4B, v12;
	[tilespmem:s11+$0xFFFFFFD0] =	vst v8;
	v8 =	vadd.s32 $0x4B, v7;
	v4 =	vld.idx.msk [tilespmem:v31+s8+$0x0], $0xffff  }
0xf6: {  	v5 =	vld.idx.msk [tilespmem:v29+s8+$0x0], $0xffff;
	[tilespmem:s11+$0xFFFFFFE0] =	vst v14  }
0xf7: {  	v7 =	vadd.s32 $0x25, v2;
	v6 =	vld.idx.msk [tilespmem:v10+s8+$0x0], $0xffff;
	[tilespmem:s11+$0xFFFFFFF0] =	vst v17  }
0xf8: {  	v9 =	vld.idx.msk [tilespmem:v15+s8+$0x0], $0xffff;
	[tilespmem:s11+$0x0] =	vst v20  }
0xf9: {  	v10 =	vld.idx.msk [tilespmem:v18+s8+$0x0], $0xffff;
	[tilespmem:s11+$0x10] =	vst v23  }
0xfa: {  	s12 =	sadd.s32 $0x80, s12;
	v12 =	vld.idx.msk [tilespmem:v21+s8+$0x0], $0xffff;
	[tilespmem:s11+$0x20] =	vst v3  }
0xfb: {  	v3 =	vld.idx.msk [tilespmem:v24+s8+$0x0], $0xffff;
	[tilespmem:s12+$0x30] =	vst v4  }
0xfc: {  	[tilespmem:s11+$0xFFFFFFC0] =	vst v5;
	v4 =	vld.idx.msk [tilespmem:v7+s8+$0x0], $0xffff  }
0xfd: {  	v5 =	vld.idx.msk [tilespmem:v30+s8+$0x0], $0xffff;
	[tilespmem:s12+$0xFFFFFFD0] =	vst v6  }
0xfe: {  	v7 =	vadd.s32 $0x38, v2;
	[tilespmem:s12+$0xFFFFFFE0] =	vst v9;
	v6 =	vld.idx.msk [tilespmem:v27+s8+$0x0], $0xffff  }
0xff: {  	v9 =	vld.idx.msk [tilespmem:v11+s8+$0x0], $0xffff;
	[tilespmem:s12+$0xFFFFFFF0] =	vst v10  }
0x100: {  	v10 =	vld.idx.msk [tilespmem:v16+s8+$0x0], $0xffff;
	[tilespmem:s12+$0x0] =	vst v12  }
0x101: {  	s13 =	sadd.s32 $0x80, s13;
	v11 =	vld.idx.msk [tilespmem:v19+s8+$0x0], $0xffff;
	[tilespmem:s12+$0x10] =	vst v3  }
0x102: {  	v3 =	vld.idx.msk [tilespmem:v22+s8+$0x0], $0xffff;
	[tilespmem:s13+$0x30] =	vst v4  }
0x103: {  	[tilespmem:s12+$0xFFFFFFC0] =	vst v5;
	v4 =	vld.idx.msk [tilespmem:v7+s8+$0x0], $0xffff  }
0x104: {  	v5 =	vld.idx.msk [tilespmem:v32+s8+$0x0], $0xffff;
	[tilespmem:s12+$0x20] =	vst v6  }
0x105: {  	v2 =	vadd.s32 $0x4B, v2;
	[tilespmem:s13+$0xFFFFFFD0] =	vst v9;
	v6 =	vld.idx.msk [tilespmem:v25+s8+$0x0], $0xffff  }
0x106: {  	[tilespmem:s13+$0xFFFFFFE0] =	vst v10;
	v7 =	vld.idx.msk [tilespmem:v28+s8+$0x0], $0xffff  }
0x107: {  	v9 =	vld.idx.msk [tilespmem:v34+s8+$0x0], $0xffff;
	[tilespmem:s13+$0xFFFFFFF0] =	vst v11  }
0x108: {  	s10 =	sadd.s32 $0x80, s10;
	v10 =	vld.idx.msk [tilespmem:v35+s8+$0x0], $0xffff;
	[tilespmem:s13+$0x0] =	vst v3  }
0x109: {  	v11 =	vld.idx.msk [tilespmem:v36+s8+$0x0], $0xffff;
	[tilespmem:s10+$0x30] =	vst v4  }
0x10a: {  	[tilespmem:s13+$0xFFFFFFC0] =	vst v5;
	v2 =	vld.idx.msk [tilespmem:v2+s8+$0x0], $0xffff  }
0x10b: {  	v12 =	vld.idx.msk [tilespmem:v33+s8+$0x0], $0xffff;
	[tilespmem:s13+$0x10] =	vst v6  }
0x10c: {  	v14 =	vld.idx.msk [tilespmem:v37+s8+$0x0], $0xffff;
	[tilespmem:s13+$0x20] =	vst v7  }
0x10d: {  	[tilespmem:s10+$0xFFFFFFD0] =	vst v9;
	v9 =	vld.idx.msk [tilespmem:v38+s8+$0x0], $0xffff  }
0x10e: {  	[tilespmem:s10+$0xFFFFFFE0] =	vst v10;
	v4 =	vld.idx.msk [tilespmem:v39+s8+$0x0], $0xffff  }
.Ltmp1:
0x10f: {  	s14 =	sadd.s32 $0x80, s14;
	v3 =	vld.idx.msk [tilespmem:v40+s8+$0x0], $0xffff;
	[tilespmem:s10+$0xFFFFFFF0] =	vst v11;
	(pc) =	sbr.rel @p0 .LBB2_5-.Ltmp1, $4  }
0x110: {  	v5 =	vld.idx.msk [tilespmem:v41+s8+$0x0], $0xffff;
	[tilespmem:s14+$0x30] =	vst v2  }
0x111: {  	[tilespmem:s10+$0xFFFFFFC0] =	vst v12;
	v7 =	vld.idx.msk [tilespmem:v42+s8+$0x0], $0xffff  }
0x112: {  	v6 =	vld.idx.msk [tilespmem:v13+s8+$0x0], $0xffff;
	[tilespmem:s10+$0x0] =	vst v14  }
0x113: {  	s30 =	sadd.s32 $0x80, s30;
	v8 =	vld.idx.msk [tilespmem:v8+s8+$0x0], $0xffff;
	[tilespmem:s10+$0x10] =	vst v9  }
0x114: {  	_ =	sdelay $0x2  }
0x115: {  	[tilespmem:s10+$0x20] =	vst v4  }
0x116: {  	[tilespmem:s14+$0xFFFFFFD0] =	vst v3;
	v1 =	vld.idx.msk [tilespmem:v1+s8+$0x0], $0xffff  }
0x117: {  	[tilespmem:s14+$0xFFFFFFE0] =	vst v5;
	v0 =	vld.idx.msk [tilespmem:v0+s8+$0x0], $0xffff  }
0x118: {  	[tilespmem:s14+$0xFFFFFFF0] =	vst v7  }
0x119: {  	[tilespmem:s14+$0xFFFFFFC0] =	vst v6  }
0x11a: {  	[tilespmem:s14+$0x0] =	vst v8  }
0x11b: {  	s3 =	sadd.s32 @!p1 $0xC00, s15;
	[tilespmem:s14+$0x10] =	vst v1  }
0x11c: {  	s10 =	simm.s32 @!p1 $0x0;
	s11 =	simm.s32 @!p1 $0x2080;
	s13 =	sor.u32 $0x400, s16;
	[tilespmem:s14+$0x20] =	vst v0  }
0x11d: {  	[tilespmem:s11], [sflag:$0x2] =	stream.linear.gather @!p1 [hbm4b:s3+s10], $0x2000, $0x38;
	[tilespmem:$0x18080] =	vst v63  }
0x11e: {  	s14 =	sadd.s32 s1, s13  }
0x11f: {  	[hbm4b:s14+s8] =	stream.linear.scatter [tilespmem:s24], [sflag:$0x4], $0x2000, $0x38;
	[tilespmem:$0x18080] =	vst v63  }
0x120: {  	s4 =	sadd.s32 $0x1, s4;
	s15 =	sadd.s32 s2, s13  }
0x121: {  	[hbm4b:s15+s8] =	stream.linear.scatter [tilespmem:s25], [sflag:$0x4], $0x2000, $0x38;
	[tilespmem:$0x18080] =	vst v63  }
0x122: {  	s16 =	sadd.s32 s5, s13;
	p0 =	sne.s32 s4, $0x8  }
0x123: {  	[hbm4b:s16+s8] =	stream.linear.scatter [tilespmem:s26], [sflag:$0x4], $0x2000, $0x38;
	[tilespmem:$0x18080] =	vst v63  }
.Ltmp2:
0x124: {  	_ = 	snop;
	(pc) =	sbr.rel @p0 .LBB2_2-.Ltmp2, $4  }
0x125: {  	s30 =	sadd.s32 s6, s13  }
0x126: {  	[hbm4b:s30+s8] =	stream.linear.scatter [tilespmem:s28], [sflag:$0x4], $0x2000, $0x38;
	[tilespmem:$0x18080] =	vst v63  }
0x127: {  	s3 =	sadd.s32 s7, s13  }
0x128: {  	[hbm4b:s3+s8] =	stream.linear.scatter [tilespmem:s29], [sflag:$0x4], $0x2000, $0x38;
	[tilespmem:$0x18080] =	vst v63  }
0x129: {  	s3 =	simm.s32 $0x3  }
0x12a: {  	_ =	swait.ge [sflag:s3], $0x2000  }
0x12b: {  	[sflag:s3] =	ssyncset.done $0x0  }
0x12c: {  	[sflag:s3] =	ssyncadd.s32 $0xFFFFE000  }
0x12d: {  	_ =	swait.ge [sflag:s3], $0x2000  }
0x12e: {  	[sflag:s3] =	ssyncset.done $0x0  }
0x12f: {  	[sflag:s3] =	ssyncadd.s32 $0xFFFFE000  }
0x130: {  	_ =	swait.ge [sflag:s3], $0x2000  }
0x131: {  	[sflag:s3] =	ssyncset.done $0x0  }
0x132: {  	[sflag:s3] =	ssyncadd.s32 $0xFFFFE000  }
0x133: {  	_ =	swait.ge [sflag:s3], $0x2000  }
0x134: {  	[sflag:s3] =	ssyncset.done $0x0  }
0x135: {  	[sflag:s3] =	ssyncadd.s32 $0xFFFFE000  }
0x136: {  	_ =	swait.ge [sflag:s3], $0x2000  }
0x137: {  	[sflag:s3] =	ssyncset.done $0x0  }
0x138: {  	[sflag:s3] =	ssyncadd.s32 $0xFFFFE000  }
0x139: {  	_ =	swait.ge [sflag:s31], $0x2000  }
0x13a: {  	[sflag:s31] =	ssyncset.done $0x0  }
0x13b: {  	[sflag:s31] =	ssyncadd.s32 $0xFFFFE000  }
0x13c: {  	_ =	swait.ge [sflag:s31], $0x2000  }
0x13d: {  	[sflag:s31] =	ssyncset.done $0x0  }
0x13e: {  	[sflag:s31] =	ssyncadd.s32 $0xFFFFE000  }
0x13f: {  	_ =	swait.ge [sflag:s31], $0x2000  }
0x140: {  	[sflag:s31] =	ssyncset.done $0x0  }
0x141: {  	[sflag:s31] =	ssyncadd.s32 $0xFFFFE000  }
0x142: {  	_ =	swait.ge [sflag:s31], $0x2000  }
0x143: {  	[sflag:s31] =	ssyncset.done $0x0  }
0x144: {  	[sflag:s31] =	ssyncadd.s32 $0xFFFFE000  }
0x145: {  	_ =	swait.ge [sflag:s31], $0x2000  }
0x146: {  	s4 =	rddreg [dreg:$0xc]  }
0x147: {  	s30 =	rddreg [dreg:$0xb];
	s4 =	sadd.s32 $0x1, s4  }
0x148: {  	p0 =	sne.s32 s4, s30  }
.Ltmp3:
0x149: {  	_ = 	snop;
	(pc) =	sbr.rel @p0 .LBB2_1-.Ltmp3, $3  }
0x14a: {  	_ =	sdelay $0x1  }
0x14b: {  	[sflag:s31] =	ssyncset.done $0x0  }
0x14c: {  	[sflag:s31] =	ssyncadd.s32 $0xFFFFE000  }
0x14d: {  	_ =	sfence.sel $0x180000  }
0x14e: {  	[bflag:$0x0] =	sbarrier.arrive $0xFFFF  }
0x14f: {  	_ =	strace $0x90000047  }
0x150: {  	s0 =	stileid.u32;
	[bflag:$0x2] =	sbarrier.arrive $0xFFFF  }
0x151: {  	p0 =	sne.s32 s0, $0x0;
	s0 =	rddreg [dreg:$0x7]  }
0x152: {  	s0 =	sadd.s32 @!p0 $0x100000, s0  }
0x153: {  	[sflag:s0] =	ssyncadd.tile.s32 @!p0 $0x1;
	_ =	shalt  }
.Lfunc_end2:
_tile_overlayer_lowered:
.L_overlay_start_2:
0x154: {  	(tag) =	ssettag $0x2  }
0x155: {  	s0 =	rddreg [dreg:$0x0];
	s2 =	stileid.u32  }
0x156: {  	s1 =	rddreg [dreg:$0x1];
	p0 =	sne.s32 s2, $0x0  }
0x157: {  	s3 =	rddreg [dreg:$0x2];
	[bflag:$0x3] =	sbarrier.arrive $0xFFFF;
	s2 =	simm.s32 @!p0 $0x1C05  }
0x158: {  	[timem:s3], [sflag:s2] =	dma.local @!p0 [hbm:s0], s1  }
0x159: {  	s0 =	simm.s32 @!p0 $0x5  }
0x15a: {  	_ =	swait.ge @!p0 [sflag:s0], s1  }
0x15b: {  	s1 =	ssub.s32 @!p0 $0x0, s1;
	[sflag:s0] =	ssyncset.done @!p0 $0x0  }
0x15c: {  	[sflag:s0] =	ssyncadd.s32 @!p0 s1  }
0x15d: {  	[bflag:$0x3] =	sbarrier.arrive $0xFFFF  }
0x15e: {  	_ =	shalt  }

</sc_bundles>
